<compile_context>
chip_gen: v7x
topology: tpu7x:2x2x1
jax: 0.10.2.dev20260603
libtpu: 0.0.44.dev20260713+nightly
codegen_flags: <defaults>
</compile_context>

<pallas_src>
import functools

import jax
import jax.numpy as jnp
from jax import lax
from jax.experimental import pallas as pl
from jax.experimental.pallas import tpu as pltpu
from jax.experimental.pallas import tpu_sc as plsc

_BATCH = 16384
_DIM = 64
_NC = 2
_NS = 16
_NW = _NC * _NS
_BPW = _BATCH // _NW
_STR = 32768
_MSTR = 8192
_CHUNK = 128
_NCHUNK = _BPW // _CHUNK

_BBLK = 2048


def _bf16_hi(x):
    r = x.astype(jnp.bfloat16).astype(jnp.float32)
    return lax.bitcast_convert_type(r, jnp.int32) & jnp.int32(-65536)


def _retile_body(stripe, tt_ref, out_ref):
    t = lax.transpose(tt_ref[...], (1, 0))
    q = stripe // 4
    b0, b1, b2, b3 = (_bf16_hi(t[i * q:(i + 1) * q]) for i in range(4))
    pa = lax.bitcast_convert_type(
        b0 | lax.shift_right_logical(b1, 16), jnp.float32)
    pb = lax.bitcast_convert_type(
        b2 | lax.shift_right_logical(b3, 16), jnp.float32)
    out_ref[...] = jnp.concatenate([pa, pb], axis=1)


def _tc_retile(table_t, rows, stripe):
    nblk = (rows + stripe - 1) // stripe
    return pl.pallas_call(
        functools.partial(_retile_body, stripe),
        grid=(nblk,),
        in_specs=[
            pl.BlockSpec((_DIM, stripe), lambda i: (0, i)),
        ],
        out_specs=pl.BlockSpec((stripe // 4, 128), lambda i: (i, 0)),
        out_shape=jax.ShapeDtypeStruct((nblk * stripe // 4, 128),
                                       jnp.float32),
        compiler_params=pltpu.CompilerParams(
            dimension_semantics=("parallel",),
            vmem_limit_bytes=100 * 1024 * 1024),
    )(table_t)


def _gather_body(p1_hbm, p2_hbm, ut_hbm, mt_hbm, e1_hbm, e2_hbm,
                 idx_v, rows_v, sem):
    wid = lax.axis_index("s") * _NC + lax.axis_index("c")
    base = wid * _BPW
    for t_hbm, p_hbm, o_hbm in ((ut_hbm, p1_hbm, e1_hbm),
                                (mt_hbm, p2_hbm, e2_hbm)):
        pltpu.sync_copy(p_hbm.at[pl.ds(wid * _NCHUNK, _NCHUNK)], idx_v)
        copies = [
            pltpu.async_copy(t_hbm.at[idx_v.at[c]],
                             rows_v.at[pl.ds(c * _CHUNK, _CHUNK)], sem)
            for c in range(_NCHUNK)
        ]
        for cp in copies:
            cp.wait()
        pltpu.sync_copy(rows_v, o_hbm.at[pl.ds(base, _BPW)])


def _sc_gather(p1, p2, utp, mtp):
    mesh = plsc.VectorSubcoreMesh(core_axis_name="c", subcore_axis_name="s")
    kern = functools.partial(
        pl.kernel,
        mesh=mesh,
        out_type=[
            jax.ShapeDtypeStruct((_BATCH, 128), jnp.float32),
            jax.ShapeDtypeStruct((_BATCH, 128), jnp.float32),
        ],
        scratch_types=[
            pltpu.VMEM((_NCHUNK, _CHUNK), jnp.int32),
            pltpu.VMEM((_BPW, 128), jnp.float32),
            pltpu.SemaphoreType.DMA,
        ],
    )(_gather_body)
    p1r = p1.reshape(_BATCH // _CHUNK, _CHUNK)
    p2r = p2.reshape(_BATCH // _CHUNK, _CHUNK)
    return kern(p1r, p2r, utp, mtp)


def _mlp_body(e1_ref, e2_ref, h1_ref, h2_ref, w1a_ref, w1b_ref, b1_ref,
              w2_ref, b2_ref, w3_ref, b3_ref, out_ref):
    lanes = lax.broadcasted_iota(jnp.int32, (_BBLK, 128), 1) >= _DIM

    def unpack_select(e_ref, h_ref):
        s = h_ref[...][:, 0:1]
        xi = lax.bitcast_convert_type(e_ref[...], jnp.int32)
        v_hi = lax.bitcast_convert_type(xi & jnp.int32(-65536), jnp.float32)
        v_lo = lax.bitcast_convert_type(jnp.left_shift(xi, 16), jnp.float32)
        hi_half = s >= 2.0
        odd = (s - jnp.where(hi_half, 2.0, 0.0)) >= 0.5
        v = jnp.where(odd, v_lo, v_hi)
        return jnp.where(lanes == hi_half, v, 0.0)

    sel1 = unpack_select(e1_ref, h1_ref)
    sel2 = unpack_select(e2_ref, h2_ref)
    h = jnp.dot(sel1, w1a_ref[...], preferred_element_type=jnp.float32)
    h = h + jnp.dot(sel2, w1b_ref[...], preferred_element_type=jnp.float32)
    h = jnp.maximum(h + b1_ref[...], 0.0)
    h = jnp.maximum(
        jnp.dot(h, w2_ref[...], preferred_element_type=jnp.float32) + b2_ref[...], 0.0)
    o = jnp.dot(h, w3_ref[...], preferred_element_type=jnp.float32) + b3_ref[...]
    out_ref[...] = jax.nn.sigmoid(o[:, 0:1])


def _tc_mlp(e1g, e2g, hf1, hf2, W1, b1, W2, b2, W3, b3):
    w1t = jnp.zeros((2 * _DIM, 128), jnp.float32).at[:, :100].set(W1.T)
    w1a = jnp.concatenate([w1t[:_DIM], w1t[:_DIM]], axis=0)
    w1b = jnp.concatenate([w1t[_DIM:], w1t[_DIM:]], axis=0)
    b1p = jnp.zeros((1, 128), jnp.float32).at[0, :100].set(b1)
    w2p = jnp.zeros((128, 128), jnp.float32).at[:100, :50].set(W2.T)
    b2p = jnp.zeros((1, 128), jnp.float32).at[0, :50].set(b2)
    w3p = jnp.zeros((128, 128), jnp.float32).at[:50, 0:1].set(W3.T)
    b3p = jnp.broadcast_to(b3.reshape(1, 1), (1, 128)).astype(jnp.float32)

    grid = _BATCH // _BBLK
    full = lambda shape: pl.BlockSpec(shape, lambda i: (0, 0))
    return pl.pallas_call(
        _mlp_body,
        grid=(grid,),
        in_specs=[
            pl.BlockSpec((_BBLK, 128), lambda i: (i, 0)),
            pl.BlockSpec((_BBLK, 128), lambda i: (i, 0)),
            pl.BlockSpec((_BBLK, 8), lambda i: (i, 0)),
            pl.BlockSpec((_BBLK, 8), lambda i: (i, 0)),
            full((128, 128)),
            full((128, 128)),
            full((1, 128)),
            full((128, 128)),
            full((1, 128)),
            full((128, 128)),
            full((1, 128)),
        ],
        out_specs=pl.BlockSpec((_BBLK, 1), lambda i: (i, 0)),
        out_shape=jax.ShapeDtypeStruct((_BATCH, 1), jnp.float32),
        compiler_params=pltpu.CompilerParams(
            dimension_semantics=("arbitrary",)),
    )(e1g, e2g, hf1, hf2, w1a, w1b, b1p, w2p, b2p, w3p, b3p)


def kernel(x1, x2, user_table, movie_table, W1, b1, W2, b2, W3, b3):
    utp = _tc_retile(user_table.T, user_table.shape[0], _STR)
    mtp = _tc_retile(movie_table.T, movie_table.shape[0], _MSTR)
    x1i = x1.astype(jnp.int32)
    x2i = x2.astype(jnp.int32)
    q1 = _STR // 4
    q2 = _MSTR // 4
    p1 = (x1i // _STR) * q1 + (x1i % q1)
    p2 = (x2i // _MSTR) * q2 + (x2i % q2)
    hf1 = jnp.broadcast_to(((x1i % _STR) // q1).astype(jnp.float32)[:, None],
                           (_BATCH, 8))
    hf2 = jnp.broadcast_to(((x2i % _MSTR) // q2).astype(jnp.float32)[:, None],
                           (_BATCH, 8))
    e1g, e2g = _sc_gather(p1, p2, utp, mtp)
    return _tc_mlp(e1g, e2g, hf1, hf2, W1, b1, W2, b2, W3, b3)

# --- scband reference (transcript-rebuilt; emitter-appended) ---
"""Pipeline reference for scband-user-movie-model-17514876633151 (READ-ONLY COPY).

The authoritative reference and input builder live on the scoring server;
editing this copy changes nothing except your own understanding.
"""

import jax, jax.numpy as jnp
import numpy as np

NO_USERS = 1000000
NO_MOVIES = 100000
USER_DIM = 64
MOVIE_DIM = 64
BATCH = 16384


def setup_inputs(seed: int = 0) -> dict:
    key = jax.random.key(seed)
    ks = jax.random.split(key, 12)
    x1 = jax.random.randint(ks[0], (BATCH,), 0, NO_USERS, dtype=jnp.int64 if jax.config.jax_enable_x64 else jnp.int32)
    x2 = jax.random.randint(ks[1], (BATCH,), 0, NO_MOVIES, dtype=jnp.int64 if jax.config.jax_enable_x64 else jnp.int32)
    user_table = jax.random.normal(ks[2], (NO_USERS, USER_DIM), dtype=jnp.float32) * 0.02
    movie_table = jax.random.normal(ks[3], (NO_MOVIES, MOVIE_DIM), dtype=jnp.float32) * 0.02
    d_in = USER_DIM + MOVIE_DIM
    W1 = jax.random.normal(ks[4], (100, d_in), dtype=jnp.float32) * (1.0 / np.sqrt(d_in))
    b1 = jnp.zeros((100,), dtype=jnp.float32)
    W2 = jax.random.normal(ks[5], (50, 100), dtype=jnp.float32) * (1.0 / np.sqrt(100))
    b2 = jnp.zeros((50,), dtype=jnp.float32)
    W3 = jax.random.normal(ks[6], (1, 50), dtype=jnp.float32) * (1.0 / np.sqrt(50))
    b3 = jnp.zeros((1,), dtype=jnp.float32)
    return {"x1": x1, "x2": x2, "user_table": user_table, "movie_table": movie_table,
            "W1": W1, "b1": b1, "W2": W2, "b2": b2, "W3": W3, "b3": b3}


def reference(x1, x2, user_table, movie_table, W1, b1, W2, b2, W3, b3):
    e1 = jnp.take(user_table, x1, axis=0)
    e2 = jnp.take(movie_table, x2, axis=0)
    x = jnp.concatenate([e1, e2], axis=1)
    x = x @ W1.T + b1
    x = jax.nn.relu(x)
    x = x @ W2.T + b2
    x = jax.nn.relu(x)
    x = x @ W3.T + b3
    x = jax.nn.sigmoid(x)
    return x

if __name__ == "__main__":
    import jax
    _d = setup_inputs()
    print(jax.jit(kernel)(*tuple(_d.values())))

</pallas_src>

<mosaic_0001>
#map = affine_map<(d0, d1) -> (0, 0)>
module attributes {stable_mosaic.version = 14 : i64} {
  func.func @_gather_body(%arg0: i32, %arg1: i32, %arg2: memref<128x128xi32, #tpu.memory_space<hbm>>, %arg3: memref<128x128xi32, #tpu.memory_space<hbm>>, %arg4: memref<253952x128xf32, #tpu.memory_space<hbm>>, %arg5: memref<26624x128xf32, #tpu.memory_space<hbm>>, %arg6: memref<16384x128xf32, #tpu.memory_space<hbm>>, %arg7: memref<16384x128xf32, #tpu.memory_space<hbm>>, %arg8: memref<4x128xi32, #tpu.memory_space<vmem>>, %arg9: memref<512x128xf32, #tpu.memory_space<vmem>>, %arg10: memref<!tpu.dma_semaphore, #tpu.memory_space<semaphore_mem>>) attributes {dimension_semantics = [#tpu.dimension_semantics<core_parallel>, #tpu.dimension_semantics<subcore_parallel>], iteration_bounds = array<i64: 2, 16>, scalar_prefetch = 0 : i64, scratch_operands = 3 : i64, tpu.core_type = #tpu.core_type<sc_vector_subcore>, window_params = [{transform_indices = #map}, {transform_indices = #map}, {transform_indices = #map}, {transform_indices = #map}, {transform_indices = #map}, {transform_indices = #map}]} {
    %mul3A = arith.constant 2 : i32
    %mul3A_0 = arith.muli %arg1, %mul3A : i32
    %add3A = arith.addi %mul3A_0, %arg0 : i32
    %mul3A_1 = arith.constant 512 : i32
    %mul3A_2 = arith.muli %add3A, %mul3A_1 : i32
    %mul3A_3 = arith.constant 4 : i32
    %mul3A_4 = arith.muli %add3A, %mul3A_3 : i32
    "tpu.region"() ({
      %run_scoped3A = tpu.sem_alloc : memref<!tpu.dma_semaphore, #tpu.memory_space<semaphore_mem>>
      %dma_start3A_165 = arith.constant 0 : i32
      %dma_start3A_166 = tpu.memref_slice %arg2[%mul3A_4, %dma_start3A_165] : memref<128x128xi32, #tpu.memory_space<hbm>> -> memref<4x128xi32, #tpu.memory_space<hbm>>
      %dma_start3A_167 = arith.constant 0 : i32
      %dma_start3A_168 = tpu.memref_slice %arg2[%mul3A_4, %dma_start3A_167] : memref<128x128xi32, #tpu.memory_space<hbm>> -> memref<4x128xi32, #tpu.memory_space<hbm>>
      tpu.enqueue_dma source(%dma_start3A_168 : memref<4x128xi32, #tpu.memory_space<hbm>>) target(%arg8 : memref<4x128xi32, #tpu.memory_space<vmem>>) target_semaphore(%run_scoped3A : memref<!tpu.dma_semaphore, #tpu.memory_space<semaphore_mem>>)
      %dma_wait3A_169 = arith.constant 0 : i32
      %dma_wait3A_170 = tpu.memref_slice %arg2[%mul3A_4, %dma_wait3A_169] : memref<128x128xi32, #tpu.memory_space<hbm>> -> memref<4x128xi32, #tpu.memory_space<hbm>>
      %dma_wait3A_171 = arith.constant 0 : i32
      %dma_wait3A_172 = tpu.memref_slice %arg2[%mul3A_4, %dma_wait3A_171] : memref<128x128xi32, #tpu.memory_space<hbm>> -> memref<4x128xi32, #tpu.memory_space<hbm>>
      tpu.wait_dma2 semaphore(%run_scoped3A : memref<!tpu.dma_semaphore, #tpu.memory_space<semaphore_mem>>) src(%dma_wait3A_172 : memref<4x128xi32, #tpu.memory_space<hbm>>) dst(%arg8 : memref<4x128xi32, #tpu.memory_space<vmem>>)
      tpu.yield
    }) : () -> ()
    %dma_start3A = arith.constant 0 : i32
    %dma_start3A_5 = arith.constant 0 : i32
    %dma_start3A_6 = arith.constant 0 : i32
    %dma_start3A_7 = tpu.memref_slice %arg9[%dma_start3A_5, %dma_start3A_6] : memref<512x128xf32, #tpu.memory_space<vmem>> -> memref<128x128xf32, #tpu.memory_space<vmem>>
    %dma_start3A_8 = arith.constant 0 : i32
    %dma_start3A_9 = tpu.memref_slice %arg8[%dma_start3A, %dma_start3A_8] : memref<4x128xi32, #tpu.memory_space<vmem>> -> memref<1x128xi32, #tpu.memory_space<vmem>>
    %dma_start3A_10 = tpu.memref_squeeze %dma_start3A_9 : memref<1x128xi32, #tpu.memory_space<vmem>> -> memref<128xi32, #tpu.memory_space<vmem>>
    %dma_start3A_11 = arith.constant 0 : i32
    %dma_start3A_12 = arith.constant 0 : i32
    %dma_start3A_13 = tpu.memref_slice %arg4[%dma_start3A_11, %dma_start3A_12] : memref<253952x128xf32, #tpu.memory_space<hbm>> -> memref<253952x128xf32, #tpu.memory_space<hbm>>
    tpu.enqueue_indirect_dma source(%dma_start3A_13 : memref<253952x128xf32, #tpu.memory_space<hbm>>) target(%dma_start3A_7 : memref<128x128xf32, #tpu.memory_space<vmem>>) offsets(%dma_start3A_10 : memref<128xi32, #tpu.memory_space<vmem>>) semaphore(%arg10 : memref<!tpu.dma_semaphore, #tpu.memory_space<semaphore_mem>>)
    %dma_start3A_14 = arith.constant 1 : i32
    %dma_start3A_15 = arith.constant 128 : i32
    %dma_start3A_16 = arith.constant 0 : i32
    %dma_start3A_17 = tpu.memref_slice %arg9[%dma_start3A_15, %dma_start3A_16] : memref<512x128xf32, #tpu.memory_space<vmem>> -> memref<128x128xf32, #tpu.memory_space<vmem>>
    %dma_start3A_18 = arith.constant 0 : i32
    %dma_start3A_19 = tpu.memref_slice %arg8[%dma_start3A_14, %dma_start3A_18] : memref<4x128xi32, #tpu.memory_space<vmem>> -> memref<1x128xi32, #tpu.memory_space<vmem>>
    %dma_start3A_20 = tpu.memref_squeeze %dma_start3A_19 : memref<1x128xi32, #tpu.memory_space<vmem>> -> memref<128xi32, #tpu.memory_space<vmem>>
    %dma_start3A_21 = arith.constant 0 : i32
    %dma_start3A_22 = arith.constant 0 : i32
    %dma_start3A_23 = tpu.memref_slice %arg4[%dma_start3A_21, %dma_start3A_22] : memref<253952x128xf32, #tpu.memory_space<hbm>> -> memref<253952x128xf32, #tpu.memory_space<hbm>>
    tpu.enqueue_indirect_dma source(%dma_start3A_23 : memref<253952x128xf32, #tpu.memory_space<hbm>>) target(%dma_start3A_17 : memref<128x128xf32, #tpu.memory_space<vmem>>) offsets(%dma_start3A_20 : memref<128xi32, #tpu.memory_space<vmem>>) semaphore(%arg10 : memref<!tpu.dma_semaphore, #tpu.memory_space<semaphore_mem>>)
    %dma_start3A_24 = arith.constant 2 : i32
    %dma_start3A_25 = arith.constant 256 : i32
    %dma_start3A_26 = arith.constant 0 : i32
    %dma_start3A_27 = tpu.memref_slice %arg9[%dma_start3A_25, %dma_start3A_26] : memref<512x128xf32, #tpu.memory_space<vmem>> -> memref<128x128xf32, #tpu.memory_space<vmem>>
    %dma_start3A_28 = arith.constant 0 : i32
    %dma_start3A_29 = tpu.memref_slice %arg8[%dma_start3A_24, %dma_start3A_28] : memref<4x128xi32, #tpu.memory_space<vmem>> -> memref<1x128xi32, #tpu.memory_space<vmem>>
    %dma_start3A_30 = tpu.memref_squeeze %dma_start3A_29 : memref<1x128xi32, #tpu.memory_space<vmem>> -> memref<128xi32, #tpu.memory_space<vmem>>
    %dma_start3A_31 = arith.constant 0 : i32
    %dma_start3A_32 = arith.constant 0 : i32
    %dma_start3A_33 = tpu.memref_slice %arg4[%dma_start3A_31, %dma_start3A_32] : memref<253952x128xf32, #tpu.memory_space<hbm>> -> memref<253952x128xf32, #tpu.memory_space<hbm>>
    tpu.enqueue_indirect_dma source(%dma_start3A_33 : memref<253952x128xf32, #tpu.memory_space<hbm>>) target(%dma_start3A_27 : memref<128x128xf32, #tpu.memory_space<vmem>>) offsets(%dma_start3A_30 : memref<128xi32, #tpu.memory_space<vmem>>) semaphore(%arg10 : memref<!tpu.dma_semaphore, #tpu.memory_space<semaphore_mem>>)
    %dma_start3A_34 = arith.constant 3 : i32
    %dma_start3A_35 = arith.constant 384 : i32
    %dma_start3A_36 = arith.constant 0 : i32
    %dma_start3A_37 = tpu.memref_slice %arg9[%dma_start3A_35, %dma_start3A_36] : memref<512x128xf32, #tpu.memory_space<vmem>> -> memref<128x128xf32, #tpu.memory_space<vmem>>
    %dma_start3A_38 = arith.constant 0 : i32
    %dma_start3A_39 = tpu.memref_slice %arg8[%dma_start3A_34, %dma_start3A_38] : memref<4x128xi32, #tpu.memory_space<vmem>> -> memref<1x128xi32, #tpu.memory_space<vmem>>
    %dma_start3A_40 = tpu.memref_squeeze %dma_start3A_39 : memref<1x128xi32, #tpu.memory_space<vmem>> -> memref<128xi32, #tpu.memory_space<vmem>>
    %dma_start3A_41 = arith.constant 0 : i32
    %dma_start3A_42 = arith.constant 0 : i32
    %dma_start3A_43 = tpu.memref_slice %arg4[%dma_start3A_41, %dma_start3A_42] : memref<253952x128xf32, #tpu.memory_space<hbm>> -> memref<253952x128xf32, #tpu.memory_space<hbm>>
    tpu.enqueue_indirect_dma source(%dma_start3A_43 : memref<253952x128xf32, #tpu.memory_space<hbm>>) target(%dma_start3A_37 : memref<128x128xf32, #tpu.memory_space<vmem>>) offsets(%dma_start3A_40 : memref<128xi32, #tpu.memory_space<vmem>>) semaphore(%arg10 : memref<!tpu.dma_semaphore, #tpu.memory_space<semaphore_mem>>)
    %dma_wait3A = arith.constant 0 : i32
    %dma_wait3A_44 = arith.constant 0 : i32
    %dma_wait3A_45 = arith.constant 0 : i32
    %dma_wait3A_46 = tpu.memref_slice %arg9[%dma_wait3A_44, %dma_wait3A_45] : memref<512x128xf32, #tpu.memory_space<vmem>> -> memref<128x128xf32, #tpu.memory_space<vmem>>
    %dma_wait3A_47 = arith.constant 0 : i32
    %dma_wait3A_48 = tpu.memref_slice %arg8[%dma_wait3A, %dma_wait3A_47] : memref<4x128xi32, #tpu.memory_space<vmem>> -> memref<1x128xi32, #tpu.memory_space<vmem>>
    %dma_wait3A_49 = tpu.memref_squeeze %dma_wait3A_48 : memref<1x128xi32, #tpu.memory_space<vmem>> -> memref<128xi32, #tpu.memory_space<vmem>>
    %dma_wait3A_50 = arith.constant 0 : i32
    %dma_wait3A_51 = arith.constant 0 : i32
    %dma_wait3A_52 = tpu.memref_slice %arg4[%dma_wait3A_50, %dma_wait3A_51] : memref<253952x128xf32, #tpu.memory_space<hbm>> -> memref<253952x128xf32, #tpu.memory_space<hbm>>
    tpu.wait_indirect_dma semaphore(%arg10 : memref<!tpu.dma_semaphore, #tpu.memory_space<semaphore_mem>>) src(%dma_wait3A_52 : memref<253952x128xf32, #tpu.memory_space<hbm>>) dst(%dma_wait3A_46 : memref<128x128xf32, #tpu.memory_space<vmem>>)
    %dma_wait3A_53 = arith.constant 1 : i32
    %dma_wait3A_54 = arith.constant 128 : i32
    %dma_wait3A_55 = arith.constant 0 : i32
    %dma_wait3A_56 = tpu.memref_slice %arg9[%dma_wait3A_54, %dma_wait3A_55] : memref<512x128xf32, #tpu.memory_space<vmem>> -> memref<128x128xf32, #tpu.memory_space<vmem>>
    %dma_wait3A_57 = arith.constant 0 : i32
    %dma_wait3A_58 = tpu.memref_slice %arg8[%dma_wait3A_53, %dma_wait3A_57] : memref<4x128xi32, #tpu.memory_space<vmem>> -> memref<1x128xi32, #tpu.memory_space<vmem>>
    %dma_wait3A_59 = tpu.memref_squeeze %dma_wait3A_58 : memref<1x128xi32, #tpu.memory_space<vmem>> -> memref<128xi32, #tpu.memory_space<vmem>>
    %dma_wait3A_60 = arith.constant 0 : i32
    %dma_wait3A_61 = arith.constant 0 : i32
    %dma_wait3A_62 = tpu.memref_slice %arg4[%dma_wait3A_60, %dma_wait3A_61] : memref<253952x128xf32, #tpu.memory_space<hbm>> -> memref<253952x128xf32, #tpu.memory_space<hbm>>
    tpu.wait_indirect_dma semaphore(%arg10 : memref<!tpu.dma_semaphore, #tpu.memory_space<semaphore_mem>>) src(%dma_wait3A_62 : memref<253952x128xf32, #tpu.memory_space<hbm>>) dst(%dma_wait3A_56 : memref<128x128xf32, #tpu.memory_space<vmem>>)
    %dma_wait3A_63 = arith.constant 2 : i32
    %dma_wait3A_64 = arith.constant 256 : i32
    %dma_wait3A_65 = arith.constant 0 : i32
    %dma_wait3A_66 = tpu.memref_slice %arg9[%dma_wait3A_64, %dma_wait3A_65] : memref<512x128xf32, #tpu.memory_space<vmem>> -> memref<128x128xf32, #tpu.memory_space<vmem>>
    %dma_wait3A_67 = arith.constant 0 : i32
    %dma_wait3A_68 = tpu.memref_slice %arg8[%dma_wait3A_63, %dma_wait3A_67] : memref<4x128xi32, #tpu.memory_space<vmem>> -> memref<1x128xi32, #tpu.memory_space<vmem>>
    %dma_wait3A_69 = tpu.memref_squeeze %dma_wait3A_68 : memref<1x128xi32, #tpu.memory_space<vmem>> -> memref<128xi32, #tpu.memory_space<vmem>>
    %dma_wait3A_70 = arith.constant 0 : i32
    %dma_wait3A_71 = arith.constant 0 : i32
    %dma_wait3A_72 = tpu.memref_slice %arg4[%dma_wait3A_70, %dma_wait3A_71] : memref<253952x128xf32, #tpu.memory_space<hbm>> -> memref<253952x128xf32, #tpu.memory_space<hbm>>
    tpu.wait_indirect_dma semaphore(%arg10 : memref<!tpu.dma_semaphore, #tpu.memory_space<semaphore_mem>>) src(%dma_wait3A_72 : memref<253952x128xf32, #tpu.memory_space<hbm>>) dst(%dma_wait3A_66 : memref<128x128xf32, #tpu.memory_space<vmem>>)
    %dma_wait3A_73 = arith.constant 3 : i32
    %dma_wait3A_74 = arith.constant 384 : i32
    %dma_wait3A_75 = arith.constant 0 : i32
    %dma_wait3A_76 = tpu.memref_slice %arg9[%dma_wait3A_74, %dma_wait3A_75] : memref<512x128xf32, #tpu.memory_space<vmem>> -> memref<128x128xf32, #tpu.memory_space<vmem>>
    %dma_wait3A_77 = arith.constant 0 : i32
    %dma_wait3A_78 = tpu.memref_slice %arg8[%dma_wait3A_73, %dma_wait3A_77] : memref<4x128xi32, #tpu.memory_space<vmem>> -> memref<1x128xi32, #tpu.memory_space<vmem>>
    %dma_wait3A_79 = tpu.memref_squeeze %dma_wait3A_78 : memref<1x128xi32, #tpu.memory_space<vmem>> -> memref<128xi32, #tpu.memory_space<vmem>>
    %dma_wait3A_80 = arith.constant 0 : i32
    %dma_wait3A_81 = arith.constant 0 : i32
    %dma_wait3A_82 = tpu.memref_slice %arg4[%dma_wait3A_80, %dma_wait3A_81] : memref<253952x128xf32, #tpu.memory_space<hbm>> -> memref<253952x128xf32, #tpu.memory_space<hbm>>
    tpu.wait_indirect_dma semaphore(%arg10 : memref<!tpu.dma_semaphore, #tpu.memory_space<semaphore_mem>>) src(%dma_wait3A_82 : memref<253952x128xf32, #tpu.memory_space<hbm>>) dst(%dma_wait3A_76 : memref<128x128xf32, #tpu.memory_space<vmem>>)
    "tpu.region"() ({
      %run_scoped3A = tpu.sem_alloc : memref<!tpu.dma_semaphore, #tpu.memory_space<semaphore_mem>>
      %dma_start3A_165 = arith.constant 0 : i32
      %dma_start3A_166 = tpu.memref_slice %arg6[%mul3A_2, %dma_start3A_165] : memref<16384x128xf32, #tpu.memory_space<hbm>> -> memref<512x128xf32, #tpu.memory_space<hbm>>
      %dma_start3A_167 = arith.constant 0 : i32
      %dma_start3A_168 = tpu.memref_slice %arg6[%mul3A_2, %dma_start3A_167] : memref<16384x128xf32, #tpu.memory_space<hbm>> -> memref<512x128xf32, #tpu.memory_space<hbm>>
      tpu.enqueue_dma source(%arg9 : memref<512x128xf32, #tpu.memory_space<vmem>>) target(%dma_start3A_168 : memref<512x128xf32, #tpu.memory_space<hbm>>) target_semaphore(%run_scoped3A : memref<!tpu.dma_semaphore, #tpu.memory_space<semaphore_mem>>)
      %dma_wait3A_169 = arith.constant 0 : i32
      %dma_wait3A_170 = tpu.memref_slice %arg6[%mul3A_2, %dma_wait3A_169] : memref<16384x128xf32, #tpu.memory_space<hbm>> -> memref<512x128xf32, #tpu.memory_space<hbm>>
      %dma_wait3A_171 = arith.constant 0 : i32
      %dma_wait3A_172 = tpu.memref_slice %arg6[%mul3A_2, %dma_wait3A_171] : memref<16384x128xf32, #tpu.memory_space<hbm>> -> memref<512x128xf32, #tpu.memory_space<hbm>>
      tpu.wait_dma2 semaphore(%run_scoped3A : memref<!tpu.dma_semaphore, #tpu.memory_space<semaphore_mem>>) src(%arg9 : memref<512x128xf32, #tpu.memory_space<vmem>>) dst(%dma_wait3A_172 : memref<512x128xf32, #tpu.memory_space<hbm>>)
      tpu.yield
    }) : () -> ()
    %mul3A_83 = arith.constant 4 : i32
    %mul3A_84 = arith.muli %add3A, %mul3A_83 : i32
    "tpu.region"() ({
      %run_scoped3A = tpu.sem_alloc : memref<!tpu.dma_semaphore, #tpu.memory_space<semaphore_mem>>
      %dma_start3A_165 = arith.constant 0 : i32
      %dma_start3A_166 = tpu.memref_slice %arg3[%mul3A_84, %dma_start3A_165] : memref<128x128xi32, #tpu.memory_space<hbm>> -> memref<4x128xi32, #tpu.memory_space<hbm>>
      %dma_start3A_167 = arith.constant 0 : i32
      %dma_start3A_168 = tpu.memref_slice %arg3[%mul3A_84, %dma_start3A_167] : memref<128x128xi32, #tpu.memory_space<hbm>> -> memref<4x128xi32, #tpu.memory_space<hbm>>
      tpu.enqueue_dma source(%dma_start3A_168 : memref<4x128xi32, #tpu.memory_space<hbm>>) target(%arg8 : memref<4x128xi32, #tpu.memory_space<vmem>>) target_semaphore(%run_scoped3A : memref<!tpu.dma_semaphore, #tpu.memory_space<semaphore_mem>>)
      %dma_wait3A_169 = arith.constant 0 : i32
      %dma_wait3A_170 = tpu.memref_slice %arg3[%mul3A_84, %dma_wait3A_169] : memref<128x128xi32, #tpu.memory_space<hbm>> -> memref<4x128xi32, #tpu.memory_space<hbm>>
      %dma_wait3A_171 = arith.constant 0 : i32
      %dma_wait3A_172 = tpu.memref_slice %arg3[%mul3A_84, %dma_wait3A_171] : memref<128x128xi32, #tpu.memory_space<hbm>> -> memref<4x128xi32, #tpu.memory_space<hbm>>
      tpu.wait_dma2 semaphore(%run_scoped3A : memref<!tpu.dma_semaphore, #tpu.memory_space<semaphore_mem>>) src(%dma_wait3A_172 : memref<4x128xi32, #tpu.memory_space<hbm>>) dst(%arg8 : memref<4x128xi32, #tpu.memory_space<vmem>>)
      tpu.yield
    }) : () -> ()
    %dma_start3A_85 = arith.constant 0 : i32
    %dma_start3A_86 = arith.constant 0 : i32
    %dma_start3A_87 = arith.constant 0 : i32
    %dma_start3A_88 = tpu.memref_slice %arg9[%dma_start3A_86, %dma_start3A_87] : memref<512x128xf32, #tpu.memory_space<vmem>> -> memref<128x128xf32, #tpu.memory_space<vmem>>
    %dma_start3A_89 = arith.constant 0 : i32
    %dma_start3A_90 = tpu.memref_slice %arg8[%dma_start3A_85, %dma_start3A_89] : memref<4x128xi32, #tpu.memory_space<vmem>> -> memref<1x128xi32, #tpu.memory_space<vmem>>
    %dma_start3A_91 = tpu.memref_squeeze %dma_start3A_90 : memref<1x128xi32, #tpu.memory_space<vmem>> -> memref<128xi32, #tpu.memory_space<vmem>>
    %dma_start3A_92 = arith.constant 0 : i32
    %dma_start3A_93 = arith.constant 0 : i32
    %dma_start3A_94 = tpu.memref_slice %arg5[%dma_start3A_92, %dma_start3A_93] : memref<26624x128xf32, #tpu.memory_space<hbm>> -> memref<26624x128xf32, #tpu.memory_space<hbm>>
    tpu.enqueue_indirect_dma source(%dma_start3A_94 : memref<26624x128xf32, #tpu.memory_space<hbm>>) target(%dma_start3A_88 : memref<128x128xf32, #tpu.memory_space<vmem>>) offsets(%dma_start3A_91 : memref<128xi32, #tpu.memory_space<vmem>>) semaphore(%arg10 : memref<!tpu.dma_semaphore, #tpu.memory_space<semaphore_mem>>)
    %dma_start3A_95 = arith.constant 1 : i32
    %dma_start3A_96 = arith.constant 128 : i32
    %dma_start3A_97 = arith.constant 0 : i32
    %dma_start3A_98 = tpu.memref_slice %arg9[%dma_start3A_96, %dma_start3A_97] : memref<512x128xf32, #tpu.memory_space<vmem>> -> memref<128x128xf32, #tpu.memory_space<vmem>>
    %dma_start3A_99 = arith.constant 0 : i32
    %dma_start3A_100 = tpu.memref_slice %arg8[%dma_start3A_95, %dma_start3A_99] : memref<4x128xi32, #tpu.memory_space<vmem>> -> memref<1x128xi32, #tpu.memory_space<vmem>>
    %dma_start3A_101 = tpu.memref_squeeze %dma_start3A_100 : memref<1x128xi32, #tpu.memory_space<vmem>> -> memref<128xi32, #tpu.memory_space<vmem>>
    %dma_start3A_102 = arith.constant 0 : i32
    %dma_start3A_103 = arith.constant 0 : i32
    %dma_start3A_104 = tpu.memref_slice %arg5[%dma_start3A_102, %dma_start3A_103] : memref<26624x128xf32, #tpu.memory_space<hbm>> -> memref<26624x128xf32, #tpu.memory_space<hbm>>
    tpu.enqueue_indirect_dma source(%dma_start3A_104 : memref<26624x128xf32, #tpu.memory_space<hbm>>) target(%dma_start3A_98 : memref<128x128xf32, #tpu.memory_space<vmem>>) offsets(%dma_start3A_101 : memref<128xi32, #tpu.memory_space<vmem>>) semaphore(%arg10 : memref<!tpu.dma_semaphore, #tpu.memory_space<semaphore_mem>>)
    %dma_start3A_105 = arith.constant 2 : i32
    %dma_start3A_106 = arith.constant 256 : i32
    %dma_start3A_107 = arith.constant 0 : i32
    %dma_start3A_108 = tpu.memref_slice %arg9[%dma_start3A_106, %dma_start3A_107] : memref<512x128xf32, #tpu.memory_space<vmem>> -> memref<128x128xf32, #tpu.memory_space<vmem>>
    %dma_start3A_109 = arith.constant 0 : i32
    %dma_start3A_110 = tpu.memref_slice %arg8[%dma_start3A_105, %dma_start3A_109] : memref<4x128xi32, #tpu.memory_space<vmem>> -> memref<1x128xi32, #tpu.memory_space<vmem>>
    %dma_start3A_111 = tpu.memref_squeeze %dma_start3A_110 : memref<1x128xi32, #tpu.memory_space<vmem>> -> memref<128xi32, #tpu.memory_space<vmem>>
    %dma_start3A_112 = arith.constant 0 : i32
    %dma_start3A_113 = arith.constant 0 : i32
    %dma_start3A_114 = tpu.memref_slice %arg5[%dma_start3A_112, %dma_start3A_113] : memref<26624x128xf32, #tpu.memory_space<hbm>> -> memref<26624x128xf32, #tpu.memory_space<hbm>>
    tpu.enqueue_indirect_dma source(%dma_start3A_114 : memref<26624x128xf32, #tpu.memory_space<hbm>>) target(%dma_start3A_108 : memref<128x128xf32, #tpu.memory_space<vmem>>) offsets(%dma_start3A_111 : memref<128xi32, #tpu.memory_space<vmem>>) semaphore(%arg10 : memref<!tpu.dma_semaphore, #tpu.memory_space<semaphore_mem>>)
    %dma_start3A_115 = arith.constant 3 : i32
    %dma_start3A_116 = arith.constant 384 : i32
    %dma_start3A_117 = arith.constant 0 : i32
    %dma_start3A_118 = tpu.memref_slice %arg9[%dma_start3A_116, %dma_start3A_117] : memref<512x128xf32, #tpu.memory_space<vmem>> -> memref<128x128xf32, #tpu.memory_space<vmem>>
    %dma_start3A_119 = arith.constant 0 : i32
    %dma_start3A_120 = tpu.memref_slice %arg8[%dma_start3A_115, %dma_start3A_119] : memref<4x128xi32, #tpu.memory_space<vmem>> -> memref<1x128xi32, #tpu.memory_space<vmem>>
    %dma_start3A_121 = tpu.memref_squeeze %dma_start3A_120 : memref<1x128xi32, #tpu.memory_space<vmem>> -> memref<128xi32, #tpu.memory_space<vmem>>
    %dma_start3A_122 = arith.constant 0 : i32
    %dma_start3A_123 = arith.constant 0 : i32
    %dma_start3A_124 = tpu.memref_slice %arg5[%dma_start3A_122, %dma_start3A_123] : memref<26624x128xf32, #tpu.memory_space<hbm>> -> memref<26624x128xf32, #tpu.memory_space<hbm>>
    tpu.enqueue_indirect_dma source(%dma_start3A_124 : memref<26624x128xf32, #tpu.memory_space<hbm>>) target(%dma_start3A_118 : memref<128x128xf32, #tpu.memory_space<vmem>>) offsets(%dma_start3A_121 : memref<128xi32, #tpu.memory_space<vmem>>) semaphore(%arg10 : memref<!tpu.dma_semaphore, #tpu.memory_space<semaphore_mem>>)
    %dma_wait3A_125 = arith.constant 0 : i32
    %dma_wait3A_126 = arith.constant 0 : i32
    %dma_wait3A_127 = arith.constant 0 : i32
    %dma_wait3A_128 = tpu.memref_slice %arg9[%dma_wait3A_126, %dma_wait3A_127] : memref<512x128xf32, #tpu.memory_space<vmem>> -> memref<128x128xf32, #tpu.memory_space<vmem>>
    %dma_wait3A_129 = arith.constant 0 : i32
    %dma_wait3A_130 = tpu.memref_slice %arg8[%dma_wait3A_125, %dma_wait3A_129] : memref<4x128xi32, #tpu.memory_space<vmem>> -> memref<1x128xi32, #tpu.memory_space<vmem>>
    %dma_wait3A_131 = tpu.memref_squeeze %dma_wait3A_130 : memref<1x128xi32, #tpu.memory_space<vmem>> -> memref<128xi32, #tpu.memory_space<vmem>>
    %dma_wait3A_132 = arith.constant 0 : i32
    %dma_wait3A_133 = arith.constant 0 : i32
    %dma_wait3A_134 = tpu.memref_slice %arg5[%dma_wait3A_132, %dma_wait3A_133] : memref<26624x128xf32, #tpu.memory_space<hbm>> -> memref<26624x128xf32, #tpu.memory_space<hbm>>
    tpu.wait_indirect_dma semaphore(%arg10 : memref<!tpu.dma_semaphore, #tpu.memory_space<semaphore_mem>>) src(%dma_wait3A_134 : memref<26624x128xf32, #tpu.memory_space<hbm>>) dst(%dma_wait3A_128 : memref<128x128xf32, #tpu.memory_space<vmem>>)
    %dma_wait3A_135 = arith.constant 1 : i32
    %dma_wait3A_136 = arith.constant 128 : i32
    %dma_wait3A_137 = arith.constant 0 : i32
    %dma_wait3A_138 = tpu.memref_slice %arg9[%dma_wait3A_136, %dma_wait3A_137] : memref<512x128xf32, #tpu.memory_space<vmem>> -> memref<128x128xf32, #tpu.memory_space<vmem>>
    %dma_wait3A_139 = arith.constant 0 : i32
    %dma_wait3A_140 = tpu.memref_slice %arg8[%dma_wait3A_135, %dma_wait3A_139] : memref<4x128xi32, #tpu.memory_space<vmem>> -> memref<1x128xi32, #tpu.memory_space<vmem>>
    %dma_wait3A_141 = tpu.memref_squeeze %dma_wait3A_140 : memref<1x128xi32, #tpu.memory_space<vmem>> -> memref<128xi32, #tpu.memory_space<vmem>>
    %dma_wait3A_142 = arith.constant 0 : i32
    %dma_wait3A_143 = arith.constant 0 : i32
    %dma_wait3A_144 = tpu.memref_slice %arg5[%dma_wait3A_142, %dma_wait3A_143] : memref<26624x128xf32, #tpu.memory_space<hbm>> -> memref<26624x128xf32, #tpu.memory_space<hbm>>
    tpu.wait_indirect_dma semaphore(%arg10 : memref<!tpu.dma_semaphore, #tpu.memory_space<semaphore_mem>>) src(%dma_wait3A_144 : memref<26624x128xf32, #tpu.memory_space<hbm>>) dst(%dma_wait3A_138 : memref<128x128xf32, #tpu.memory_space<vmem>>)
    %dma_wait3A_145 = arith.constant 2 : i32
    %dma_wait3A_146 = arith.constant 256 : i32
    %dma_wait3A_147 = arith.constant 0 : i32
    %dma_wait3A_148 = tpu.memref_slice %arg9[%dma_wait3A_146, %dma_wait3A_147] : memref<512x128xf32, #tpu.memory_space<vmem>> -> memref<128x128xf32, #tpu.memory_space<vmem>>
    %dma_wait3A_149 = arith.constant 0 : i32
    %dma_wait3A_150 = tpu.memref_slice %arg8[%dma_wait3A_145, %dma_wait3A_149] : memref<4x128xi32, #tpu.memory_space<vmem>> -> memref<1x128xi32, #tpu.memory_space<vmem>>
    %dma_wait3A_151 = tpu.memref_squeeze %dma_wait3A_150 : memref<1x128xi32, #tpu.memory_space<vmem>> -> memref<128xi32, #tpu.memory_space<vmem>>
    %dma_wait3A_152 = arith.constant 0 : i32
    %dma_wait3A_153 = arith.constant 0 : i32
    %dma_wait3A_154 = tpu.memref_slice %arg5[%dma_wait3A_152, %dma_wait3A_153] : memref<26624x128xf32, #tpu.memory_space<hbm>> -> memref<26624x128xf32, #tpu.memory_space<hbm>>
    tpu.wait_indirect_dma semaphore(%arg10 : memref<!tpu.dma_semaphore, #tpu.memory_space<semaphore_mem>>) src(%dma_wait3A_154 : memref<26624x128xf32, #tpu.memory_space<hbm>>) dst(%dma_wait3A_148 : memref<128x128xf32, #tpu.memory_space<vmem>>)
    %dma_wait3A_155 = arith.constant 3 : i32
    %dma_wait3A_156 = arith.constant 384 : i32
    %dma_wait3A_157 = arith.constant 0 : i32
    %dma_wait3A_158 = tpu.memref_slice %arg9[%dma_wait3A_156, %dma_wait3A_157] : memref<512x128xf32, #tpu.memory_space<vmem>> -> memref<128x128xf32, #tpu.memory_space<vmem>>
    %dma_wait3A_159 = arith.constant 0 : i32
    %dma_wait3A_160 = tpu.memref_slice %arg8[%dma_wait3A_155, %dma_wait3A_159] : memref<4x128xi32, #tpu.memory_space<vmem>> -> memref<1x128xi32, #tpu.memory_space<vmem>>
    %dma_wait3A_161 = tpu.memref_squeeze %dma_wait3A_160 : memref<1x128xi32, #tpu.memory_space<vmem>> -> memref<128xi32, #tpu.memory_space<vmem>>
    %dma_wait3A_162 = arith.constant 0 : i32
    %dma_wait3A_163 = arith.constant 0 : i32
    %dma_wait3A_164 = tpu.memref_slice %arg5[%dma_wait3A_162, %dma_wait3A_163] : memref<26624x128xf32, #tpu.memory_space<hbm>> -> memref<26624x128xf32, #tpu.memory_space<hbm>>
    tpu.wait_indirect_dma semaphore(%arg10 : memref<!tpu.dma_semaphore, #tpu.memory_space<semaphore_mem>>) src(%dma_wait3A_164 : memref<26624x128xf32, #tpu.memory_space<hbm>>) dst(%dma_wait3A_158 : memref<128x128xf32, #tpu.memory_space<vmem>>)
    "tpu.region"() ({
      %run_scoped3A = tpu.sem_alloc : memref<!tpu.dma_semaphore, #tpu.memory_space<semaphore_mem>>
      %dma_start3A_165 = arith.constant 0 : i32
      %dma_start3A_166 = tpu.memref_slice %arg7[%mul3A_2, %dma_start3A_165] : memref<16384x128xf32, #tpu.memory_space<hbm>> -> memref<512x128xf32, #tpu.memory_space<hbm>>
      %dma_start3A_167 = arith.constant 0 : i32
      %dma_start3A_168 = tpu.memref_slice %arg7[%mul3A_2, %dma_start3A_167] : memref<16384x128xf32, #tpu.memory_space<hbm>> -> memref<512x128xf32, #tpu.memory_space<hbm>>
      tpu.enqueue_dma source(%arg9 : memref<512x128xf32, #tpu.memory_space<vmem>>) target(%dma_start3A_168 : memref<512x128xf32, #tpu.memory_space<hbm>>) target_semaphore(%run_scoped3A : memref<!tpu.dma_semaphore, #tpu.memory_space<semaphore_mem>>)
      %dma_wait3A_169 = arith.constant 0 : i32
      %dma_wait3A_170 = tpu.memref_slice %arg7[%mul3A_2, %dma_wait3A_169] : memref<16384x128xf32, #tpu.memory_space<hbm>> -> memref<512x128xf32, #tpu.memory_space<hbm>>
      %dma_wait3A_171 = arith.constant 0 : i32
      %dma_wait3A_172 = tpu.memref_slice %arg7[%mul3A_2, %dma_wait3A_171] : memref<16384x128xf32, #tpu.memory_space<hbm>> -> memref<512x128xf32, #tpu.memory_space<hbm>>
      tpu.wait_dma2 semaphore(%run_scoped3A : memref<!tpu.dma_semaphore, #tpu.memory_space<semaphore_mem>>) src(%arg9 : memref<512x128xf32, #tpu.memory_space<vmem>>) dst(%dma_wait3A_172 : memref<512x128xf32, #tpu.memory_space<hbm>>)
      tpu.yield
    }) : () -> ()
    return
  }
}

module attributes {stable_mosaic.version = 14 : i64} {
  func.func @_retile_body(%arg0: i32, %arg1: memref<64x32768xf32, #tpu.memory_space<vmem>>, %arg2: memref<8192x128xf32, #tpu.memory_space<vmem>>) attributes {dimension_semantics = [#tpu.dimension_semantics<parallel>], iteration_bounds = array<i64: 31>, scalar_prefetch = 0 : i64, scratch_operands = 0 : i64, tpu.core_type = #tpu.core_type<tc>, window_params = [{transform_indices = @transform_0, window_bounds = array<i64: 64, 32768>}, {transform_indices = @transform_1, window_bounds = array<i64: 8192, 128>}]} {
    %get3A = arith.constant 0 : index
    %get3A_0 = arith.constant 0 : index
    %get3A_1 = vector.load %arg1[%get3A, %get3A_0] : memref<64x32768xf32, #tpu.memory_space<vmem>>, vector<64x32768xf32>
    %transpose3A = tpu.transpose %get3A_1, [1, 0] : vector<64x32768xf32> -> vector<32768x64xf32>
    %slice3A = vector.extract_strided_slice %transpose3A {offsets = [0, 0], sizes = [8192, 64], strides = [1, 1]} : vector<32768x64xf32> to vector<8192x64xf32>
    %convert_element_type3A = arith.truncf %slice3A : vector<8192x64xf32> to vector<8192x64xbf16>
    %convert_element_type3A_2 = arith.extf %convert_element_type3A : vector<8192x64xbf16> to vector<8192x64xf32>
    %bitcast_convert_type3A = tpu.bitcast %convert_element_type3A_2 : vector<8192x64xf32> -> vector<8192x64xi32>
    %and3A = arith.constant -65536 : i32
    %and3A_3 = vector.broadcast %and3A : i32 to vector<8192x64xi32>
    %and3A_4 = arith.andi %bitcast_convert_type3A, %and3A_3 : vector<8192x64xi32>
    %slice3A_5 = vector.extract_strided_slice %transpose3A {offsets = [8192, 0], sizes = [8192, 64], strides = [1, 1]} : vector<32768x64xf32> to vector<8192x64xf32>
    %convert_element_type3A_6 = arith.truncf %slice3A_5 : vector<8192x64xf32> to vector<8192x64xbf16>
    %convert_element_type3A_7 = arith.extf %convert_element_type3A_6 : vector<8192x64xbf16> to vector<8192x64xf32>
    %bitcast_convert_type3A_8 = tpu.bitcast %convert_element_type3A_7 : vector<8192x64xf32> -> vector<8192x64xi32>
    %and3A_9 = arith.constant -65536 : i32
    %and3A_10 = vector.broadcast %and3A_9 : i32 to vector<8192x64xi32>
    %and3A_11 = arith.andi %bitcast_convert_type3A_8, %and3A_10 : vector<8192x64xi32>
    %slice3A_12 = vector.extract_strided_slice %transpose3A {offsets = [16384, 0], sizes = [8192, 64], strides = [1, 1]} : vector<32768x64xf32> to vector<8192x64xf32>
    %convert_element_type3A_13 = arith.truncf %slice3A_12 : vector<8192x64xf32> to vector<8192x64xbf16>
    %convert_element_type3A_14 = arith.extf %convert_element_type3A_13 : vector<8192x64xbf16> to vector<8192x64xf32>
    %bitcast_convert_type3A_15 = tpu.bitcast %convert_element_type3A_14 : vector<8192x64xf32> -> vector<8192x64xi32>
    %and3A_16 = arith.constant -65536 : i32
    %and3A_17 = vector.broadcast %and3A_16 : i32 to vector<8192x64xi32>
    %and3A_18 = arith.andi %bitcast_convert_type3A_15, %and3A_17 : vector<8192x64xi32>
    %slice3A_19 = vector.extract_strided_slice %transpose3A {offsets = [24576, 0], sizes = [8192, 64], strides = [1, 1]} : vector<32768x64xf32> to vector<8192x64xf32>
    %convert_element_type3A_20 = arith.truncf %slice3A_19 : vector<8192x64xf32> to vector<8192x64xbf16>
    %convert_element_type3A_21 = arith.extf %convert_element_type3A_20 : vector<8192x64xbf16> to vector<8192x64xf32>
    %bitcast_convert_type3A_22 = tpu.bitcast %convert_element_type3A_21 : vector<8192x64xf32> -> vector<8192x64xi32>
    %and3A_23 = arith.constant -65536 : i32
    %and3A_24 = vector.broadcast %and3A_23 : i32 to vector<8192x64xi32>
    %and3A_25 = arith.andi %bitcast_convert_type3A_22, %and3A_24 : vector<8192x64xi32>
    %shift_right_logical3A = arith.constant 16 : i32
    %shift_right_logical3A_26 = vector.broadcast %shift_right_logical3A : i32 to vector<8192x64xi32>
    %shift_right_logical3A_27 = arith.shrui %and3A_11, %shift_right_logical3A_26 : vector<8192x64xi32>
    %or3A = arith.ori %and3A_4, %shift_right_logical3A_27 : vector<8192x64xi32>
    %bitcast_convert_type3A_28 = tpu.bitcast %or3A : vector<8192x64xi32> -> vector<8192x64xf32>
    %shift_right_logical3A_29 = arith.constant 16 : i32
    %shift_right_logical3A_30 = vector.broadcast %shift_right_logical3A_29 : i32 to vector<8192x64xi32>
    %shift_right_logical3A_31 = arith.shrui %and3A_25, %shift_right_logical3A_30 : vector<8192x64xi32>
    %or3A_32 = arith.ori %and3A_18, %shift_right_logical3A_31 : vector<8192x64xi32>
    %bitcast_convert_type3A_33 = tpu.bitcast %or3A_32 : vector<8192x64xi32> -> vector<8192x64xf32>
    %concatenate3A = tpu.concatenate %bitcast_convert_type3A_28, %bitcast_convert_type3A_33 in 1 : vector<8192x64xf32>, vector<8192x64xf32> -> vector<8192x128xf32>
    %swap3A = arith.constant 0 : index
    %swap3A_34 = arith.constant 0 : index
    %swap3A_35 = vector.load %arg2[%swap3A, %swap3A_34] : memref<8192x128xf32, #tpu.memory_space<vmem>>, vector<8192x128xf32>
    tpu.vector_store %arg2[%swap3A, %swap3A_34], %concatenate3A {strides = array<i32>} : memref<8192x128xf32, #tpu.memory_space<vmem>>, vector<8192x128xf32>,
    return
  }
  func.func @transform_0(%arg0: i32) -> (i32, i32) {
    %c0_i32 = arith.constant 0 : i32
    %c0_i32_0 = arith.constant 0 : i32
    return %c0_i32, %arg0 : i32, i32
  }
  func.func @transform_1(%arg0: i32) -> (i32, i32) {
    %c0_i32 = arith.constant 0 : i32
    %c0_i32_0 = arith.constant 0 : i32
    return %arg0, %c0_i32 : i32, i32
  }
}

module attributes {stable_mosaic.version = 14 : i64} {
  func.func @_retile_body(%arg0: i32, %arg1: memref<64x8192xf32, #tpu.memory_space<vmem>>, %arg2: memref<2048x128xf32, #tpu.memory_space<vmem>>) attributes {dimension_semantics = [#tpu.dimension_semantics<parallel>], iteration_bounds = array<i64: 13>, scalar_prefetch = 0 : i64, scratch_operands = 0 : i64, tpu.core_type = #tpu.core_type<tc>, window_params = [{transform_indices = @transform_0, window_bounds = array<i64: 64, 8192>}, {transform_indices = @transform_1, window_bounds = array<i64: 2048, 128>}]} {
    %get3A = arith.constant 0 : index
    %get3A_0 = arith.constant 0 : index
    %get3A_1 = vector.load %arg1[%get3A, %get3A_0] : memref<64x8192xf32, #tpu.memory_space<vmem>>, vector<64x8192xf32>
    %transpose3A = tpu.transpose %get3A_1, [1, 0] : vector<64x8192xf32> -> vector<8192x64xf32>
    %slice3A = vector.extract_strided_slice %transpose3A {offsets = [0, 0], sizes = [2048, 64], strides = [1, 1]} : vector<8192x64xf32> to vector<2048x64xf32>
    %convert_element_type3A = arith.truncf %slice3A : vector<2048x64xf32> to vector<2048x64xbf16>
    %convert_element_type3A_2 = arith.extf %convert_element_type3A : vector<2048x64xbf16> to vector<2048x64xf32>
    %bitcast_convert_type3A = tpu.bitcast %convert_element_type3A_2 : vector<2048x64xf32> -> vector<2048x64xi32>
    %and3A = arith.constant -65536 : i32
    %and3A_3 = vector.broadcast %and3A : i32 to vector<2048x64xi32>
    %and3A_4 = arith.andi %bitcast_convert_type3A, %and3A_3 : vector<2048x64xi32>
    %slice3A_5 = vector.extract_strided_slice %transpose3A {offsets = [2048, 0], sizes = [2048, 64], strides = [1, 1]} : vector<8192x64xf32> to vector<2048x64xf32>
    %convert_element_type3A_6 = arith.truncf %slice3A_5 : vector<2048x64xf32> to vector<2048x64xbf16>
    %convert_element_type3A_7 = arith.extf %convert_element_type3A_6 : vector<2048x64xbf16> to vector<2048x64xf32>
    %bitcast_convert_type3A_8 = tpu.bitcast %convert_element_type3A_7 : vector<2048x64xf32> -> vector<2048x64xi32>
    %and3A_9 = arith.constant -65536 : i32
    %and3A_10 = vector.broadcast %and3A_9 : i32 to vector<2048x64xi32>
    %and3A_11 = arith.andi %bitcast_convert_type3A_8, %and3A_10 : vector<2048x64xi32>
    %slice3A_12 = vector.extract_strided_slice %transpose3A {offsets = [4096, 0], sizes = [2048, 64], strides = [1, 1]} : vector<8192x64xf32> to vector<2048x64xf32>
    %convert_element_type3A_13 = arith.truncf %slice3A_12 : vector<2048x64xf32> to vector<2048x64xbf16>
    %convert_element_type3A_14 = arith.extf %convert_element_type3A_13 : vector<2048x64xbf16> to vector<2048x64xf32>
    %bitcast_convert_type3A_15 = tpu.bitcast %convert_element_type3A_14 : vector<2048x64xf32> -> vector<2048x64xi32>
    %and3A_16 = arith.constant -65536 : i32
    %and3A_17 = vector.broadcast %and3A_16 : i32 to vector<2048x64xi32>
    %and3A_18 = arith.andi %bitcast_convert_type3A_15, %and3A_17 : vector<2048x64xi32>
    %slice3A_19 = vector.extract_strided_slice %transpose3A {offsets = [6144, 0], sizes = [2048, 64], strides = [1, 1]} : vector<8192x64xf32> to vector<2048x64xf32>
    %convert_element_type3A_20 = arith.truncf %slice3A_19 : vector<2048x64xf32> to vector<2048x64xbf16>
    %convert_element_type3A_21 = arith.extf %convert_element_type3A_20 : vector<2048x64xbf16> to vector<2048x64xf32>
    %bitcast_convert_type3A_22 = tpu.bitcast %convert_element_type3A_21 : vector<2048x64xf32> -> vector<2048x64xi32>
    %and3A_23 = arith.constant -65536 : i32
    %and3A_24 = vector.broadcast %and3A_23 : i32 to vector<2048x64xi32>
    %and3A_25 = arith.andi %bitcast_convert_type3A_22, %and3A_24 : vector<2048x64xi32>
    %shift_right_logical3A = arith.constant 16 : i32
    %shift_right_logical3A_26 = vector.broadcast %shift_right_logical3A : i32 to vector<2048x64xi32>
    %shift_right_logical3A_27 = arith.shrui %and3A_11, %shift_right_logical3A_26 : vector<2048x64xi32>
    %or3A = arith.ori %and3A_4, %shift_right_logical3A_27 : vector<2048x64xi32>
    %bitcast_convert_type3A_28 = tpu.bitcast %or3A : vector<2048x64xi32> -> vector<2048x64xf32>
    %shift_right_logical3A_29 = arith.constant 16 : i32
    %shift_right_logical3A_30 = vector.broadcast %shift_right_logical3A_29 : i32 to vector<2048x64xi32>
    %shift_right_logical3A_31 = arith.shrui %and3A_25, %shift_right_logical3A_30 : vector<2048x64xi32>
    %or3A_32 = arith.ori %and3A_18, %shift_right_logical3A_31 : vector<2048x64xi32>
    %bitcast_convert_type3A_33 = tpu.bitcast %or3A_32 : vector<2048x64xi32> -> vector<2048x64xf32>
    %concatenate3A = tpu.concatenate %bitcast_convert_type3A_28, %bitcast_convert_type3A_33 in 1 : vector<2048x64xf32>, vector<2048x64xf32> -> vector<2048x128xf32>
    %swap3A = arith.constant 0 : index
    %swap3A_34 = arith.constant 0 : index
    %swap3A_35 = vector.load %arg2[%swap3A, %swap3A_34] : memref<2048x128xf32, #tpu.memory_space<vmem>>, vector<2048x128xf32>
    tpu.vector_store %arg2[%swap3A, %swap3A_34], %concatenate3A {strides = array<i32>} : memref<2048x128xf32, #tpu.memory_space<vmem>>, vector<2048x128xf32>,
    return
  }
  func.func @transform_0(%arg0: i32) -> (i32, i32) {
    %c0_i32 = arith.constant 0 : i32
    %c0_i32_0 = arith.constant 0 : i32
    return %c0_i32, %arg0 : i32, i32
  }
  func.func @transform_1(%arg0: i32) -> (i32, i32) {
    %c0_i32 = arith.constant 0 : i32
    %c0_i32_0 = arith.constant 0 : i32
    return %arg0, %c0_i32 : i32, i32
  }
}

module attributes {stable_mosaic.version = 14 : i64} {
  func.func @_mlp_body(%arg0: i32, %arg1: memref<2048x128xf32, #tpu.memory_space<vmem>>, %arg2: memref<2048x128xf32, #tpu.memory_space<vmem>>, %arg3: memref<2048x8xf32, #tpu.memory_space<vmem>>, %arg4: memref<2048x8xf32, #tpu.memory_space<vmem>>, %arg5: memref<128x128xf32, #tpu.memory_space<vmem>>, %arg6: memref<128x128xf32, #tpu.memory_space<vmem>>, %arg7: memref<1x128xf32, #tpu.memory_space<vmem>>, %arg8: memref<128x128xf32, #tpu.memory_space<vmem>>, %arg9: memref<1x128xf32, #tpu.memory_space<vmem>>, %arg10: memref<128x128xf32, #tpu.memory_space<vmem>>, %arg11: memref<1x128xf32, #tpu.memory_space<vmem>>, %arg12: memref<2048x1xf32, #tpu.memory_space<vmem>>) attributes {dimension_semantics = [#tpu.dimension_semantics<arbitrary>], iteration_bounds = array<i64: 8>, scalar_prefetch = 0 : i64, scratch_operands = 0 : i64, tpu.core_type = #tpu.core_type<tc>, window_params = [{transform_indices = @transform_0, window_bounds = array<i64: 2048, 128>}, {transform_indices = @transform_1, window_bounds = array<i64: 2048, 128>}, {transform_indices = @transform_2, window_bounds = array<i64: 2048, 8>}, {transform_indices = @transform_3, window_bounds = array<i64: 2048, 8>}, {pipeline_mode = #tpu.pipeline_mode<synchronous>, transform_indices = @transform_4, window_bounds = array<i64: 128, 128>}, {pipeline_mode = #tpu.pipeline_mode<synchronous>, transform_indices = @transform_5, window_bounds = array<i64: 128, 128>}, {pipeline_mode = #tpu.pipeline_mode<synchronous>, transform_indices = @transform_6, window_bounds = array<i64: 1, 128>}, {pipeline_mode = #tpu.pipeline_mode<synchronous>, transform_indices = @transform_7, window_bounds = array<i64: 128, 128>}, {pipeline_mode = #tpu.pipeline_mode<synchronous>, transform_indices = @transform_8, window_bounds = array<i64: 1, 128>}, {pipeline_mode = #tpu.pipeline_mode<synchronous>, transform_indices = @transform_9, window_bounds = array<i64: 128, 128>}, {pipeline_mode = #tpu.pipeline_mode<synchronous>, transform_indices = @transform_10, window_bounds = array<i64: 1, 128>}, {transform_indices = @transform_11, window_bounds = array<i64: 2048, 1>}]} {
    %iota3A = tpu.iota {dimensions = array<i32: 1>} : vector<2048x128xi32>
    %ge3A = arith.constant 64 : i32
    %ge3A_0 = vector.broadcast %ge3A : i32 to vector<2048x128xi32>
    %ge3A_1 = arith.cmpi sge, %iota3A, %ge3A_0 : vector<2048x128xi32>
    %get3A = arith.constant 0 : index
    %get3A_2 = arith.constant 0 : index
    %get3A_3 = vector.load %arg3[%get3A, %get3A_2] : memref<2048x8xf32, #tpu.memory_space<vmem>>, vector<2048x8xf32>
    %slice3A = vector.extract_strided_slice %get3A_3 {offsets = [0, 0], sizes = [2048, 1], strides = [1, 1]} : vector<2048x8xf32> to vector<2048x1xf32>
    %get3A_4 = arith.constant 0 : index
    %get3A_5 = arith.constant 0 : index
    %get3A_6 = vector.load %arg1[%get3A_4, %get3A_5] : memref<2048x128xf32, #tpu.memory_space<vmem>>, vector<2048x128xf32>
    %bitcast_convert_type3A = tpu.bitcast %get3A_6 : vector<2048x128xf32> -> vector<2048x128xi32>
    %and3A = arith.constant -65536 : i32
    %and3A_7 = vector.broadcast %and3A : i32 to vector<2048x128xi32>
    %and3A_8 = arith.andi %bitcast_convert_type3A, %and3A_7 : vector<2048x128xi32>
    %bitcast_convert_type3A_9 = tpu.bitcast %and3A_8 : vector<2048x128xi32> -> vector<2048x128xf32>
    %shift_left3A = arith.constant 16 : i32
    %shift_left3A_10 = vector.broadcast %shift_left3A : i32 to vector<2048x128xi32>
    %shift_left3A_11 = arith.shli %bitcast_convert_type3A, %shift_left3A_10 : vector<2048x128xi32>
    %bitcast_convert_type3A_12 = tpu.bitcast %shift_left3A_11 : vector<2048x128xi32> -> vector<2048x128xf32>
    %ge3A_13 = arith.constant 2.000000e+00 : f32
    %ge3A_14 = vector.broadcast %ge3A_13 : f32 to vector<2048x1xf32>
    %ge3A_15 = arith.cmpf oge, %slice3A, %ge3A_14 : vector<2048x1xf32>
    %jit3A = arith.constant 2.000000e+00 : f32
    %jit3A_16 = arith.constant 0.000000e+00 : f32
    %broadcast_in_dim3A = vector.broadcast %jit3A : f32 to vector<2048x1xf32>
    %broadcast_in_dim3A_17 = vector.broadcast %jit3A_16 : f32 to vector<2048x1xf32>
    %select_n3A = arith.select %ge3A_15, %broadcast_in_dim3A, %broadcast_in_dim3A_17 : vector<2048x1xi1>, vector<2048x1xf32>
    %sub3A = arith.subf %slice3A, %select_n3A : vector<2048x1xf32>
    %ge3A_18 = arith.constant 5.000000e-01 : f32
    %ge3A_19 = vector.broadcast %ge3A_18 : f32 to vector<2048x1xf32>
    %ge3A_20 = arith.cmpf oge, %sub3A, %ge3A_19 : vector<2048x1xf32>
    %broadcast_in_dim3A_21 = vector.shape_cast %ge3A_20 : vector<2048x1xi1> to vector<2048x1xi1>
    %broadcast_in_dim3A_22 = vector.broadcast %broadcast_in_dim3A_21 : vector<2048x1xi1> to vector<2048x128xi1>
    %select_n3A_23 = arith.select %broadcast_in_dim3A_22, %bitcast_convert_type3A_12, %bitcast_convert_type3A_9 : vector<2048x128xi1>, vector<2048x128xf32>
    %eq3A = vector.broadcast %ge3A_15 : vector<2048x1xi1> to vector<2048x128xi1>
    %eq3A_24 = vector.broadcast %eq3A : vector<2048x128xi1> to vector<2048x128xi1>
    %eq3A_25 = arith.xori %ge3A_1, %eq3A_24 : vector<2048x128xi1>
    %eq3A_26 = arith.constant dense<true> : vector<2048x128xi1>
    %eq3A_27 = arith.xori %eq3A_25, %eq3A_26 : vector<2048x128xi1>
    %jit3A_28 = arith.constant 0.000000e+00 : f32
    %broadcast_in_dim3A_29 = vector.broadcast %jit3A_28 : f32 to vector<2048x128xf32>
    %select_n3A_30 = arith.select %eq3A_27, %select_n3A_23, %broadcast_in_dim3A_29 : vector<2048x128xi1>, vector<2048x128xf32>
    %get3A_31 = arith.constant 0 : index
    %get3A_32 = arith.constant 0 : index
    %get3A_33 = vector.load %arg4[%get3A_31, %get3A_32] : memref<2048x8xf32, #tpu.memory_space<vmem>>, vector<2048x8xf32>
    %slice3A_34 = vector.extract_strided_slice %get3A_33 {offsets = [0, 0], sizes = [2048, 1], strides = [1, 1]} : vector<2048x8xf32> to vector<2048x1xf32>
    %get3A_35 = arith.constant 0 : index
    %get3A_36 = arith.constant 0 : index
    %get3A_37 = vector.load %arg2[%get3A_35, %get3A_36] : memref<2048x128xf32, #tpu.memory_space<vmem>>, vector<2048x128xf32>
    %bitcast_convert_type3A_38 = tpu.bitcast %get3A_37 : vector<2048x128xf32> -> vector<2048x128xi32>
    %and3A_39 = arith.constant -65536 : i32
    %and3A_40 = vector.broadcast %and3A_39 : i32 to vector<2048x128xi32>
    %and3A_41 = arith.andi %bitcast_convert_type3A_38, %and3A_40 : vector<2048x128xi32>
    %bitcast_convert_type3A_42 = tpu.bitcast %and3A_41 : vector<2048x128xi32> -> vector<2048x128xf32>
    %shift_left3A_43 = arith.constant 16 : i32
    %shift_left3A_44 = vector.broadcast %shift_left3A_43 : i32 to vector<2048x128xi32>
    %shift_left3A_45 = arith.shli %bitcast_convert_type3A_38, %shift_left3A_44 : vector<2048x128xi32>
    %bitcast_convert_type3A_46 = tpu.bitcast %shift_left3A_45 : vector<2048x128xi32> -> vector<2048x128xf32>
    %ge3A_47 = arith.constant 2.000000e+00 : f32
    %ge3A_48 = vector.broadcast %ge3A_47 : f32 to vector<2048x1xf32>
    %ge3A_49 = arith.cmpf oge, %slice3A_34, %ge3A_48 : vector<2048x1xf32>
    %jit3A_50 = arith.constant 2.000000e+00 : f32
    %jit3A_51 = arith.constant 0.000000e+00 : f32
    %broadcast_in_dim3A_52 = vector.broadcast %jit3A_50 : f32 to vector<2048x1xf32>
    %broadcast_in_dim3A_53 = vector.broadcast %jit3A_51 : f32 to vector<2048x1xf32>
    %select_n3A_54 = arith.select %ge3A_49, %broadcast_in_dim3A_52, %broadcast_in_dim3A_53 : vector<2048x1xi1>, vector<2048x1xf32>
    %sub3A_55 = arith.subf %slice3A_34, %select_n3A_54 : vector<2048x1xf32>
    %ge3A_56 = arith.constant 5.000000e-01 : f32
    %ge3A_57 = vector.broadcast %ge3A_56 : f32 to vector<2048x1xf32>
    %ge3A_58 = arith.cmpf oge, %sub3A_55, %ge3A_57 : vector<2048x1xf32>
    %broadcast_in_dim3A_59 = vector.shape_cast %ge3A_58 : vector<2048x1xi1> to vector<2048x1xi1>
    %broadcast_in_dim3A_60 = vector.broadcast %broadcast_in_dim3A_59 : vector<2048x1xi1> to vector<2048x128xi1>
    %select_n3A_61 = arith.select %broadcast_in_dim3A_60, %bitcast_convert_type3A_46, %bitcast_convert_type3A_42 : vector<2048x128xi1>, vector<2048x128xf32>
    %eq3A_62 = vector.broadcast %ge3A_49 : vector<2048x1xi1> to vector<2048x128xi1>
    %eq3A_63 = vector.broadcast %eq3A_62 : vector<2048x128xi1> to vector<2048x128xi1>
    %eq3A_64 = arith.xori %ge3A_1, %eq3A_63 : vector<2048x128xi1>
    %eq3A_65 = arith.constant dense<true> : vector<2048x128xi1>
    %eq3A_66 = arith.xori %eq3A_64, %eq3A_65 : vector<2048x128xi1>
    %jit3A_67 = arith.constant 0.000000e+00 : f32
    %broadcast_in_dim3A_68 = vector.broadcast %jit3A_67 : f32 to vector<2048x128xf32>
    %select_n3A_69 = arith.select %eq3A_66, %select_n3A_61, %broadcast_in_dim3A_68 : vector<2048x128xi1>, vector<2048x128xf32>
    %get3A_70 = arith.constant 0 : index
    %get3A_71 = arith.constant 0 : index
    %get3A_72 = vector.load %arg5[%get3A_70, %get3A_71] : memref<128x128xf32, #tpu.memory_space<vmem>>, vector<128x128xf32>
    %dot_general3A = arith.constant dense<0.000000e+00> : vector<2048x128xf32>
    %dot_general3A_73 = tpu.matmul %select_n3A_30, %get3A_72, %dot_general3A {dimension_numbers = #tpu.dot_dimension_numbers<[1], [0], [0], [1], [0, 0, 1, 1], [], []>, transpose_lhs_hint = false} : vector<2048x128xf32>, vector<128x128xf32>, vector<2048x128xf32> -> vector<2048x128xf32>
    %get3A_74 = arith.constant 0 : index
    %get3A_75 = arith.constant 0 : index
    %get3A_76 = vector.load %arg6[%get3A_74, %get3A_75] : memref<128x128xf32, #tpu.memory_space<vmem>>, vector<128x128xf32>
    %dot_general3A_77 = arith.constant dense<0.000000e+00> : vector<2048x128xf32>
    %dot_general3A_78 = tpu.matmul %select_n3A_69, %get3A_76, %dot_general3A_77 {dimension_numbers = #tpu.dot_dimension_numbers<[1], [0], [0], [1], [0, 0, 1, 1], [], []>, transpose_lhs_hint = false} : vector<2048x128xf32>, vector<128x128xf32>, vector<2048x128xf32> -> vector<2048x128xf32>
    %add3A = arith.addf %dot_general3A_73, %dot_general3A_78 : vector<2048x128xf32>
    %get3A_79 = arith.constant 0 : index
    %get3A_80 = arith.constant 0 : index
    %get3A_81 = vector.load %arg7[%get3A_79, %get3A_80] : memref<1x128xf32, #tpu.memory_space<vmem>>, vector<1x128xf32>
    %add3A_82 = vector.broadcast %get3A_81 : vector<1x128xf32> to vector<2048x128xf32>
    %add3A_83 = arith.addf %add3A, %add3A_82 : vector<2048x128xf32>
    %max3A = arith.constant 0.000000e+00 : f32
    %max3A_84 = vector.broadcast %max3A : f32 to vector<2048x128xf32>
    %max3A_85 = arith.maximumf %add3A_83, %max3A_84 : vector<2048x128xf32>
    %get3A_86 = arith.constant 0 : index
    %get3A_87 = arith.constant 0 : index
    %get3A_88 = vector.load %arg8[%get3A_86, %get3A_87] : memref<128x128xf32, #tpu.memory_space<vmem>>, vector<128x128xf32>
    %dot_general3A_89 = arith.constant dense<0.000000e+00> : vector<2048x128xf32>
    %dot_general3A_90 = tpu.matmul %max3A_85, %get3A_88, %dot_general3A_89 {dimension_numbers = #tpu.dot_dimension_numbers<[1], [0], [0], [1], [0, 0, 1, 1], [], []>, transpose_lhs_hint = false} : vector<2048x128xf32>, vector<128x128xf32>, vector<2048x128xf32> -> vector<2048x128xf32>
    %get3A_91 = arith.constant 0 : index
    %get3A_92 = arith.constant 0 : index
    %get3A_93 = vector.load %arg9[%get3A_91, %get3A_92] : memref<1x128xf32, #tpu.memory_space<vmem>>, vector<1x128xf32>
    %add3A_94 = vector.broadcast %get3A_93 : vector<1x128xf32> to vector<2048x128xf32>
    %add3A_95 = arith.addf %dot_general3A_90, %add3A_94 : vector<2048x128xf32>
    %max3A_96 = arith.constant 0.000000e+00 : f32
    %max3A_97 = vector.broadcast %max3A_96 : f32 to vector<2048x128xf32>
    %max3A_98 = arith.maximumf %add3A_95, %max3A_97 : vector<2048x128xf32>
    %get3A_99 = arith.constant 0 : index
    %get3A_100 = arith.constant 0 : index
    %get3A_101 = vector.load %arg10[%get3A_99, %get3A_100] : memref<128x128xf32, #tpu.memory_space<vmem>>, vector<128x128xf32>
    %dot_general3A_102 = arith.constant dense<0.000000e+00> : vector<2048x128xf32>
    %dot_general3A_103 = tpu.matmul %max3A_98, %get3A_101, %dot_general3A_102 {dimension_numbers = #tpu.dot_dimension_numbers<[1], [0], [0], [1], [0, 0, 1, 1], [], []>, transpose_lhs_hint = false} : vector<2048x128xf32>, vector<128x128xf32>, vector<2048x128xf32> -> vector<2048x128xf32>
    %get3A_104 = arith.constant 0 : index
    %get3A_105 = arith.constant 0 : index
    %get3A_106 = vector.load %arg11[%get3A_104, %get3A_105] : memref<1x128xf32, #tpu.memory_space<vmem>>, vector<1x128xf32>
    %add3A_107 = vector.broadcast %get3A_106 : vector<1x128xf32> to vector<2048x128xf32>
    %add3A_108 = arith.addf %dot_general3A_103, %add3A_107 : vector<2048x128xf32>
    %slice3A_109 = vector.extract_strided_slice %add3A_108 {offsets = [0, 0], sizes = [2048, 1], strides = [1, 1]} : vector<2048x128xf32> to vector<2048x1xf32>
    %logistic3A = arith.negf %slice3A_109 : vector<2048x1xf32>
    %logistic3A_110 = math.exp %logistic3A : vector<2048x1xf32>
    %logistic3A_111 = arith.constant 1.000000e+00 : f32
    %logistic3A_112 = vector.broadcast %logistic3A_111 : f32 to vector<2048x1xf32>
    %logistic3A_113 = arith.addf %logistic3A_112, %logistic3A_110 : vector<2048x1xf32>
    %logistic3A_114 = arith.divf %logistic3A_112, %logistic3A_113 : vector<2048x1xf32>
    %swap3A = arith.constant 0 : index
    %swap3A_115 = arith.constant 0 : index
    %swap3A_116 = vector.load %arg12[%swap3A, %swap3A_115] : memref<2048x1xf32, #tpu.memory_space<vmem>>, vector<2048x1xf32>
    tpu.vector_store %arg12[%swap3A, %swap3A_115], %logistic3A_114 {strides = array<i32>} : memref<2048x1xf32, #tpu.memory_space<vmem>>, vector<2048x1xf32>,
    return
  }
  func.func @transform_0(%arg0: i32) -> (i32, i32) {
    %c0_i32 = arith.constant 0 : i32
    %c0_i32_0 = arith.constant 0 : i32
    return %arg0, %c0_i32 : i32, i32
  }
  func.func @transform_1(%arg0: i32) -> (i32, i32) {
    %c0_i32 = arith.constant 0 : i32
    %c0_i32_0 = arith.constant 0 : i32
    return %arg0, %c0_i32 : i32, i32
  }
  func.func @transform_2(%arg0: i32) -> (i32, i32) {
    %c0_i32 = arith.constant 0 : i32
    %c0_i32_0 = arith.constant 0 : i32
    return %arg0, %c0_i32 : i32, i32
  }
  func.func @transform_3(%arg0: i32) -> (i32, i32) {
    %c0_i32 = arith.constant 0 : i32
    %c0_i32_0 = arith.constant 0 : i32
    return %arg0, %c0_i32 : i32, i32
  }
  func.func @transform_4(%arg0: i32) -> (i32, i32) {
    %c0_i32 = arith.constant 0 : i32
    %c0_i32_0 = arith.constant 0 : i32
    %c0_i32_1 = arith.constant 0 : i32
    return %c0_i32, %c0_i32_0 : i32, i32
  }
  func.func @transform_5(%arg0: i32) -> (i32, i32) {
    %c0_i32 = arith.constant 0 : i32
    %c0_i32_0 = arith.constant 0 : i32
    %c0_i32_1 = arith.constant 0 : i32
    return %c0_i32, %c0_i32_0 : i32, i32
  }
  func.func @transform_6(%arg0: i32) -> (i32, i32) {
    %c0_i32 = arith.constant 0 : i32
    %c0_i32_0 = arith.constant 0 : i32
    %c0_i32_1 = arith.constant 0 : i32
    return %c0_i32, %c0_i32_0 : i32, i32
  }
  func.func @transform_7(%arg0: i32) -> (i32, i32) {
    %c0_i32 = arith.constant 0 : i32
    %c0_i32_0 = arith.constant 0 : i32
    %c0_i32_1 = arith.constant 0 : i32
    return %c0_i32, %c0_i32_0 : i32, i32
  }
  func.func @transform_8(%arg0: i32) -> (i32, i32) {
    %c0_i32 = arith.constant 0 : i32
    %c0_i32_0 = arith.constant 0 : i32
    %c0_i32_1 = arith.constant 0 : i32
    return %c0_i32, %c0_i32_0 : i32, i32
  }
  func.func @transform_9(%arg0: i32) -> (i32, i32) {
    %c0_i32 = arith.constant 0 : i32
    %c0_i32_0 = arith.constant 0 : i32
    %c0_i32_1 = arith.constant 0 : i32
    return %c0_i32, %c0_i32_0 : i32, i32
  }
  func.func @transform_10(%arg0: i32) -> (i32, i32) {
    %c0_i32 = arith.constant 0 : i32
    %c0_i32_0 = arith.constant 0 : i32
    %c0_i32_1 = arith.constant 0 : i32
    return %c0_i32, %c0_i32_0 : i32, i32
  }
  func.func @transform_11(%arg0: i32) -> (i32, i32) {
    %c0_i32 = arith.constant 0 : i32
    %c0_i32_0 = arith.constant 0 : i32
    return %arg0, %c0_i32 : i32, i32
  }
}

</mosaic_0001>

<sc_bundles>
// kernel: kernel.6.cloned.1.call-start
scs
__scs_entry_jumppad:
0x0: {  	(pc) =	sbr.rel $0x88, $3  }
0x1: {  	(tag) =	ssettag $0x0;
	lr =	simm.s32 $0x1  }
0x2: {  	[smem:$0x3F97] =	sst lr;
	_ =	strace $0xD0000000  }
0x3: {  	_ = 	snop  }
0x4: {  	_ = 	snop  }
0x5: {  	_ = 	snop  }
0x6: {  	_ = 	snop  }
0x7: {  	_ = 	snop  }
__scs_overlays_trampoline_lowered:
0x8: {  	[smem:$0x3FA6] =	sst s0  }
0x9: {  	[smem:$0x3FA7] =	sst s1  }
0xa: {  	[smem:$0x3FA8] =	sst s2  }
0xb: {  	[smem:$0x3FA9] =	sst s3  }
0xc: {  	[smem:$0x3FAA] =	sst s4  }
0xd: {  	[smem:$0x3FAB] =	sst s5  }
0xe: {  	[smem:$0x3FAC] =	sst s6  }
0xf: {  	[smem:$0x3FAD] =	sst s7  }
0x10: {  	[smem:$0x3FAE] =	sst s8  }
0x11: {  	[smem:$0x3FAF] =	sst s9;
	s0 =	simm.s32 @!p0 $0x0  }
0x12: {  	s1 =	sld [smem:$0x3F95];
	s0 =	simm.s32 @p0 $0x1  }
0x13: {  	[smem:$0x3FB0] =	sst s0;
	s0 =	simm.s32 @!p1 $0x0  }
0x14: {  	s2 =	sld [smem:$0x3F94];
	s0 =	simm.s32 @p1 $0x1  }
0x15: {  	[smem:$0x3FB1] =	sst s0;
	s0 =	simm.s32 @!p2 $0x0  }
0x16: {  	s3 =	sld [smem:$0x3FDB];
	s0 =	simm.s32 @p2 $0x1  }
0x17: {  	s4 =	simm.s32 $0x1BF5;
	[smem:$0x3FB3] =	sst s0  }
0x18: {  	s0 =	sld [smem:$0x3F96];
	_ =	swait.ge [sflag:s4], $0x0  }
0x19: {  	s7 =	sld [smem:$0x3F97]  }
0x1a: {  	s8 =	sadd.s32 $0xFFFFE003, lr  }
0x1b: {  	s9 =	sadd.s32 $0xFFFFFEF7, lr;
	s5 =	simm.s32 $0xFFFFFFFF;
	p2 =	slt.u32 s8, $0xFFFFF086  }
0x1c: {  	p1 =	slt.u32 s9, $0xF7A;
	s5 =	simm.s32 @!p2 $0x0  }
0x1d: {  	s5 =	simm.s32 @p1 $0x1;
	p0 =	seq.s32 s7, s2  }
0x1e: {  	s7 =	smul.u32 @!p0 $0xF7A, s2;
	p2 =	seq.s32 @!p0 s5, $0x0  }
0x1f: {  	s9 =	smul.u32 $0xF7A, s1;
	s8 =	simm.s32 @!p0 $0x1BF5;
	p2 =	por !p2, p0  }
0x20: {  	[sflag:s8] =	ssyncset.s32 @!p0 $0xFFFFF086;
	s6 =	sadd.s32 @!p0 s3, s7;
	s7 =	simm.s32 @!p0 $0x108  }
0x21: {  	s3 =	sadd.s32 s3, s9;
	s6 =	sadd.s32 @!p0 $0x88, s6;
	s7 =	simm.s32 @p2 $0x1082  }
0x22: {  	[simem:s7], [sflag:s8] =	dma.local @!p0 [hbm:s6], $0xF7A  }
0x23: {  	s9 =	sor.u32 $0xD0000000, s2;
	s6 =	simm.s32 $0x108;
	_ =	swait.ge @!p0 [sflag:s8], $0x0  }
0x24: {  	s3 =	sadd.s32 $0x88, s3;
	s6 =	simm.s32 @!p1 $0x1082;
	[sflag:s4] =	ssyncset.s32 $0xFFFFF086  }
0x25: {  	[simem:s6], [sflag:s4] =	dma.local [hbm:s3], $0xF7A  }
0x26: {  	[smem:$0x3F97] =	sst s1;
	(tag) =	ssettag s2;
	_ =	strace s9  }
0x27: {  	s1 =	sld [smem:$0x3FA7]  }
0x28: {  	s2 =	sld [smem:$0x3FA8]  }
0x29: {  	s4 =	sld [smem:$0x3FAA]  }
0x2a: {  	p0 =	seq.s32 s5, $0x0;
	s5 =	sld [smem:$0x3FAB]  }
0x2b: {  	s6 =	sld [smem:$0x3FAC]  }
0x2c: {  	s7 =	sld [smem:$0x3FAD]  }
0x2d: {  	s3 =	simm.s32 $0x108;
	s8 =	sld [smem:$0x3FAE]  }
0x2e: {  	s3 =	simm.s32 @!p0 $0x1082;
	s9 =	sld [smem:$0x3FAF]  }
0x2f: {  	lr =	sadd.s32 s0, s3;
	s0 =	sld [smem:$0x3FA6]  }
0x30: {  	s3 =	sld [smem:$0x3FA9]  }
0x31: {  	[smem:$0x3FB2] =	sst s10  }
0x32: {  	s10 =	sld [smem:$0x3FB0];
	_ =	sdelay $0x3  }
0x33: {  	p0 =	seq.s32 s10, $0x1;
	s10 =	sld [smem:$0x3FB2];
	_ =	sdelay $0x3  }
0x34: {  	[smem:$0x3FB2] =	sst s10  }
0x35: {  	s10 =	sld [smem:$0x3FB1];
	_ =	sdelay $0x3  }
0x36: {  	p1 =	seq.s32 s10, $0x1;
	s10 =	sld [smem:$0x3FB2];
	_ =	sdelay $0x3  }
0x37: {  	[smem:$0x3FB2] =	sst s10  }
0x38: {  	s10 =	sld [smem:$0x3FB3]  }
0x39: {  	_ = 	snop;
	(pc) =	sbr.ind lr, $3  }
0x3a: {  	_ = 	snop  }
0x3b: {  	_ = 	snop  }
0x3c: {  	p2 =	seq.s32 s10, $0x1;
	s10 =	sld [smem:$0x3FB2]  }
0x3d: {  	_ =	shalt  }
0x3e: {  	_ =	shalt  }
0x3f: {  	_ =	shalt  }
0x40: {  	_ =	shalt  }
0x41: {  	_ =	shalt  }
0x42: {  	_ =	shalt  }
0x43: {  	_ =	shalt  }
0x44: {  	_ =	shalt  }
0x45: {  	_ =	shalt  }
0x46: {  	_ =	shalt  }
0x47: {  	_ =	shalt  }
0x48: {  	_ =	shalt  }
0x49: {  	_ =	shalt  }
0x4a: {  	_ =	shalt  }
0x4b: {  	_ =	shalt  }
0x4c: {  	_ =	shalt  }
0x4d: {  	_ =	shalt  }
0x4e: {  	_ =	shalt  }
0x4f: {  	_ =	shalt  }
0x50: {  	_ =	shalt  }
0x51: {  	_ =	shalt  }
0x52: {  	_ =	shalt  }
0x53: {  	_ =	shalt  }
0x54: {  	_ =	shalt  }
0x55: {  	_ =	shalt  }
0x56: {  	_ =	shalt  }
0x57: {  	_ =	shalt  }
0x58: {  	_ =	shalt  }
0x59: {  	_ =	shalt  }
0x5a: {  	_ =	shalt  }
0x5b: {  	_ =	shalt  }
0x5c: {  	_ =	shalt  }
0x5d: {  	_ =	shalt  }
0x5e: {  	_ =	shalt  }
0x5f: {  	_ =	shalt  }
0x60: {  	_ =	shalt  }
0x61: {  	_ =	shalt  }
0x62: {  	_ =	shalt  }
0x63: {  	_ =	shalt  }
0x64: {  	_ =	shalt  }
0x65: {  	_ =	shalt  }
0x66: {  	_ =	shalt  }
0x67: {  	_ =	shalt  }
0x68: {  	_ =	shalt  }
0x69: {  	_ =	shalt  }
0x6a: {  	_ =	shalt  }
0x6b: {  	_ =	shalt  }
0x6c: {  	_ =	shalt  }
0x6d: {  	_ =	shalt  }
0x6e: {  	_ =	shalt  }
0x6f: {  	_ =	shalt  }
0x70: {  	_ =	shalt  }
0x71: {  	_ =	shalt  }
0x72: {  	_ =	shalt  }
0x73: {  	_ =	shalt  }
0x74: {  	_ =	shalt  }
0x75: {  	_ =	shalt  }
0x76: {  	_ =	shalt  }
0x77: {  	_ =	shalt  }
0x78: {  	_ =	shalt  }
0x79: {  	_ =	shalt  }
0x7a: {  	_ =	shalt  }
0x7b: {  	_ =	shalt  }
0x7c: {  	_ =	shalt  }
0x7d: {  	_ =	shalt  }
0x7e: {  	_ =	shalt  }
0x7f: {  	_ =	shalt  }
0x80: {  	_ =	shalt  }
0x81: {  	_ =	shalt  }
0x82: {  	_ =	shalt  }
0x83: {  	_ =	shalt  }
0x84: {  	_ =	shalt  }
0x85: {  	_ =	shalt  }
0x86: {  	_ =	shalt  }
0x87: {  	_ =	shalt  }
.Lfunc_end0:
.L_simem_size_0:
called_computation_lowered:
.L_overlay_start_0:
0x88: {  	s2 =	sld [smem:$0x3FD9]  }
0x89: {  	s3 =	sld [smem:$0x3FFE];
	_ =	sdelay $0x1  }
0x8a: {  	s1 =	srdreg.scid  }
0x8b: {  	s0 =	sand.u32 $0x1, s1  }
0x8c: {  	s17 =	sshll.u32 s0, $0xA;
	s2 =	sadd.s32 s3, s2  }
0x8d: {  	s2 =	sadd.s32 s2, s17  }
0x8e: {  	[smem:$0x3FBE] =	sst s2  }
0x8f: {  	_ = 	snop  }
0x90: {  	s2 =	sld [smem:$0x3FD0];
	(tm) =	ssettm $0x1  }
0x91: {  	s18 =	sld [smem:$0x3FFB];
	_ =	sdelay $0x3  }
0x92: {  	_ =	strace s18  }
0x93: {  	s3 =	sld [smem:$0x3FFC];
	_ =	sdelay $0x3  }
0x94: {  	_ =	strace s3  }
0x95: {  	s3 =	sld [smem:$0x3FFD];
	_ =	sdelay $0x3  }
0x96: {  	_ =	strace s3  }
0x97: {  	_ =	strace $0x8FFFFFFF  }
0x98: {  	s19 =	sld [smem:$0x3FDB];
	_ =	sdelay $0x1  }
0x99: {  	s4 =	simm.s32 $_scs_section_size  }
0x9a: {  	s5 =	simm.s32 $_size__tile_overlayer_lowered;
	s6 =	simm.s32 $_tile_overlayer_lowered  }
0x9b: {  	s22 =	simm.s32 $0x1BFF;
	s21 =	sshll.u32 s6, $0x1;
	s3 =	sadd.s32 s4, s19  }
0x9c: {  	s7 =	simm.s32 $0x0;
	s20 =	sshll.u32 s5, $0x1;
	s5 =	sadd.s32 s21, s3  }
0x9d: {  	[timem:s7], [sflag:s22] =	dma.local [hbm:s5], s20  }
0x9e: {  	_ =	swait.ge [sflag:s22], s20  }
0x9f: {  	s4 =	ssub.s32 $0x0, s20;
	[sflag:s22] =	ssyncset.done $0x0  }
0xa0: {  	[sflag:s22] =	ssyncadd.s32 s4;
	_ =	sdelay $0x1  }
0xa1: {  	s23 =	simm.s32 $0x1B8B  }
0xa2: {  	_ =	swait.ge [sflag:s23], $0x1  }
0xa3: {  	[sflag:s23] =	ssyncset.done $0x0  }
0xa4: {  	s25 =	simm.s32 $0x1B8E;
	s24 =	sld [smem:$0x3FFE];
	[sflag:s23] =	ssyncadd.s32 $0xFFFFFFFF  }
0xa5: {  	s26 =	simm.s32 $execute0_lowered;
	[smem:$0x3FD2] =	sst s25  }
0xa6: {  	s5 =	sshll.u32 s26, $0x1;
	_ =	strace $0x80000046;
	[dreg:$0x1] =	wrdreg $0xFFFFFFFF  }
0xa7: {  	s28 =	simm.s32 $_size_execute0_lowered;
	s3 =	sadd.s32 s3, s5;
	[dreg:$0x0] =	wrdreg $0x0  }
0xa8: {  	s5 =	sshll.u32 s28, $0x1;
	[dreg:$0x2] =	wrdreg s3  }
0xa9: {  	[dreg:$0x3] =	wrdreg s5  }
0xaa: {  	[dreg:$0x4] =	wrdreg $0xC0  }
0xab: {  	_ =	task [dreg:s7], $0x5FFFF  }
0xac: {  	[dreg:$0x1] =	wrdreg $0xFFFFFFFF  }
0xad: {  	[dreg:$0x0] =	wrdreg $0x60  }
0xae: {  	[dreg:$0x2] =	wrdreg s2  }
0xaf: {  	[dreg:$0x3] =	wrdreg s24  }
0xb0: {  	[dreg:$0x4] =	wrdreg $0x9  }
0xb1: {  	_ =	task.clear_ibuf [dreg:s7], $0x5FFFF;
	_ =	strace $0x90000046  }
0xb2: {  	s29 =	simm.s32 $0x9;
	_ =	strace $0x80000048  }
0xb3: {  	_ =	swait.ge [sflag:s29], $0x1  }
0xb4: {  	[sflag:s29] =	ssyncadd.s32 $0xFFFFFFFF  }
0xb5: {  	_ =	strace $0x90000048  }
0xb6: {  	_ =	sfence  }
0xb7: {  	s30 =	sld [smem:$0x0];
	_ =	sdelay $0x2  }
0xb8: {  	s31 =	sshll.u32 s1, $0xD;
	s1 =	sshrl.u32 s1, $0x2  }
0xb9: {  	s3 =	sand.u32 $0x4000, s31;
	s1 =	sadd.s32 s1, s30  }
0xba: {  	s0 =	sor.u32 s3, s0;
	s1 =	sshll.u32 s1, $0x11  }
0xbb: {  	s0 =	sor.u32 s1, s0  }
0xbc: {  	s0 =	sadd.s32 $0x8F2B, s0  }
0xbd: {  	[sflag:s0] =	ssyncadd.remote.s32 $0x1  }
0xbe: {  	_ =	sfence.sel $0xFFFF  }
0xbf: {  	[dreg:$0x0] =	wrdreg $0xFFFFFFFF;
	(pc) =	sbr.abs _section_cstart, $3  }
0xc0: {  	[dreg:$0x1] =	wrdreg $0xFFFFFFFF  }
0xc1: {  	_ =	task.clear_ibuf [dreg:s7], $0x2FFFF;
	_ =	strace $0x9FFFFFFF  }
0xc2: {  	(tm) =	ssettm $0x7FFFFFFF  }
0xc3: {  	_ =	shalt  }
tec
execute0_lowered:
.L_overlay_start_1:
0x0: {  	(tag) =	ssettag $0x1  }
0x1: {  	s3 =	rddreg [dreg:$0x0]  }
0x2: {  	s16 =	rddreg [dreg:$0x1];
	s2 =	srdreg.scid  }
0x3: {  	s0 =	rddreg [dreg:$0x2];
	s1 =	stileid.u32;
	s17 =	sand.u32 $0x1, s2  }
0x4: {  	s2 =	simm.s32 $0x0;
	s4 =	sshll.u32 s1, $0x7;
	s5 =	sshll.u32 s17, $0x6  }
0x5: {  	[smem:$0x7FF] =	sst s2;
	s15 =	sor.u32 s5, s4  }
0x6: {  	_ =	strace $0x80000047;
	s4 =	sadd.s32 s3, s15;
	s3 =	simm.s32 $0x2  }
0x7: {  	[tilespmem:s2], [sflag:$0x2] =	stream.linear.gather [hbm4b:s4+s2], $0x200, $0x38;
	[tilespmem:$0x10200] =	vst v63  }
0x8: {  	_ =	swait.ge [sflag:s3], $0x200  }
0x9: {  	s6 =	simm.s32 $0x80;
	[sflag:s3] =	ssyncset.done $0x0  }
0xa: {  	s7 =	simm.s32 $0x200;
	s5 =	sadd.s32 $0x1600, s16;
	[sflag:s3] =	ssyncadd.s32 $0xFFFFFE00  }
0xb: {  	[tilespmem:s7], [sflag:$0x1] =	stream.indirect.gather [hbm4b:s5+s6], $0x80, s2, s6, $0xb8;
	[tilespmem:$0x10200] =	vst v63  }
0xc: {  	s8 =	simm.s32 $0x4200  }
0xd: {  	[tilespmem:s8], [sflag:$0x1] =	stream.indirect.gather [hbm4b:s5+s6], $0x80, s6, s6, $0xb8;
	[tilespmem:$0x10200] =	vst v63  }
0xe: {  	s9 =	simm.s32 $0x100;
	s10 =	simm.s32 $0x8200  }
0xf: {  	[tilespmem:s10], [sflag:$0x1] =	stream.indirect.gather [hbm4b:s5+s6], $0x80, s9, s6, $0xb8;
	[tilespmem:$0x10200] =	vst v63  }
0x10: {  	s11 =	simm.s32 $0x180;
	s12 =	simm.s32 $0xC200;
	s13 =	simm.s32 $0x1  }
0x11: {  	[tilespmem:s12], [sflag:$0x1] =	stream.indirect.gather [hbm4b:s5+s6], $0x80, s11, s6, $0xb8;
	[tilespmem:$0x10200] =	vst v63  }
0x12: {  	_ =	swait.ge [sflag:s13], $0x4000  }
0x13: {  	[sflag:s13] =	ssyncset.done $0x0  }
0x14: {  	[sflag:s13] =	ssyncadd.s32 $0xFFFFC000  }
0x15: {  	_ =	swait.ge [sflag:s13], $0x4000  }
0x16: {  	[sflag:s13] =	ssyncset.done $0x0  }
0x17: {  	[sflag:s13] =	ssyncadd.s32 $0xFFFFC000  }
0x18: {  	_ =	swait.ge [sflag:s13], $0x4000  }
0x19: {  	[sflag:s13] =	ssyncset.done $0x0  }
0x1a: {  	s14 =	sshll.u32 s1, $0xE;
	s18 =	sshll.u32 s17, $0xD;
	[sflag:s13] =	ssyncadd.s32 $0xFFFFC000  }
0x1b: {  	s14 =	sor.u32 s18, s14;
	_ =	swait.ge [sflag:s13], $0x4000  }
0x1c: {  	s18 =	sadd.s32 s14, s16;
	[sflag:s13] =	ssyncset.done $0x0  }
0x1d: {  	s14 =	sadd.s32 $0x449E00, s18;
	[sflag:s13] =	ssyncadd.s32 $0xFFFFC000  }
0x1e: {  	[hbm4b:s14+s2] =	stream.linear.scatter [tilespmem:s7], [sflag:$0x2], $0x10000, $0x38;
	[tilespmem:$0x10200] =	vst v63  }
0x1f: {  	_ =	swait.ge [sflag:s3], $0x10000  }
0x20: {  	s15 =	sadd.s32 s15, s16;
	[sflag:s3] =	ssyncset.done $0x0  }
0x21: {  	s15 =	sadd.s32 $0x449600, s15;
	[sflag:s3] =	ssyncadd.s32 $0xFFFF0000  }
0x22: {  	[tilespmem:s2], [sflag:$0x2] =	stream.linear.gather [hbm4b:s15+s2], $0x200, $0x38;
	[tilespmem:$0x10200] =	vst v63  }
0x23: {  	_ =	swait.ge [sflag:s3], $0x200  }
0x24: {  	[sflag:s3] =	ssyncset.done $0x0  }
0x25: {  	s16 =	sadd.s32 $0x3E1600, s16;
	[sflag:s3] =	ssyncadd.s32 $0xFFFFFE00  }
0x26: {  	[tilespmem:s7], [sflag:$0x1] =	stream.indirect.gather [hbm4b:s16+s6], $0x80, s2, s6, $0xb8;
	[tilespmem:$0x10200] =	vst v63  }
0x27: {  	_ = 	snop  }
0x28: {  	[tilespmem:s8], [sflag:$0x1] =	stream.indirect.gather [hbm4b:s16+s6], $0x80, s6, s6, $0xb8;
	[tilespmem:$0x10200] =	vst v63  }
0x29: {  	_ = 	snop  }
0x2a: {  	[tilespmem:s10], [sflag:$0x1] =	stream.indirect.gather [hbm4b:s16+s6], $0x80, s9, s6, $0xb8;
	[tilespmem:$0x10200] =	vst v63  }
0x2b: {  	_ = 	snop  }
0x2c: {  	[tilespmem:s12], [sflag:$0x1] =	stream.indirect.gather [hbm4b:s16+s6], $0x80, s11, s6, $0xb8;
	[tilespmem:$0x10200] =	vst v63  }
0x2d: {  	_ =	swait.ge [sflag:s13], $0x4000  }
0x2e: {  	[sflag:s13] =	ssyncset.done $0x0  }
0x2f: {  	[sflag:s13] =	ssyncadd.s32 $0xFFFFC000  }
0x30: {  	_ =	swait.ge [sflag:s13], $0x4000  }
0x31: {  	[sflag:s13] =	ssyncset.done $0x0  }
0x32: {  	s17 =	ssub.s32 $0x2, s17;
	[sflag:s13] =	ssyncadd.s32 $0xFFFFC000  }
0x33: {  	s19 =	sshrl.u32 s17, $0x1;
	_ =	swait.ge [sflag:s13], $0x4000  }
0x34: {  	s19 =	ssub.s32 s17, s19;
	[sflag:s13] =	ssyncset.done $0x0  }
0x35: {  	s31 =	smax.u32 s19, $0x1;
	[sflag:s13] =	ssyncadd.s32 $0xFFFFC000  }
0x36: {  	p0 =	sne.s32 s31, $0x1;
	_ =	swait.ge [sflag:s13], $0x4000  }
.Ltmp0:
0x37: {  	[sflag:s13] =	ssyncset.done $0x0;
	(pc) =	sbr.rel @!p0 .LBB2_2-.Ltmp0, $4  }
0x38: {  	s17 =	sadd.s32 $0x489E00, s18;
	[sflag:s13] =	ssyncadd.s32 $0xFFFFC000  }
0x39: {  	[hbm4b:s17+s2] =	stream.linear.scatter [tilespmem:s7], [sflag:$0x2], $0x10000, $0x38;
	[tilespmem:$0x10200] =	vst v63  }
0x3a: {  	_ =	swait.ge [sflag:s3], $0x10000  }
0x3b: {  	s18 =	sadd.s32 $0xFFFFFFFF, s31;
	[sflag:s3] =	ssyncset.done $0x0  }
.LBB2_1:
0x3c: {  	p0 =	sne.s32 s18, $0x1;
	s18 =	sadd.s32 $0xFFFFFFFF, s18;
	[sflag:s3] =	ssyncadd.s32 $0xFFFF0000  }
0x3d: {  	[tilespmem:s2], [sflag:$0x2] =	stream.linear.gather [hbm4b:s4+s2], $0x200, $0x38;
	[tilespmem:$0x10200] =	vst v63  }
0x3e: {  	_ =	swait.ge [sflag:s3], $0x200  }
0x3f: {  	[sflag:s3] =	ssyncset.done $0x0  }
0x40: {  	[sflag:s3] =	ssyncadd.s32 $0xFFFFFE00  }
0x41: {  	[tilespmem:s7], [sflag:$0x1] =	stream.indirect.gather [hbm4b:s5+s6], $0x80, s2, s6, $0xb8;
	[tilespmem:$0x10200] =	vst v63  }
0x42: {  	_ = 	snop  }
0x43: {  	[tilespmem:s8], [sflag:$0x1] =	stream.indirect.gather [hbm4b:s5+s6], $0x80, s6, s6, $0xb8;
	[tilespmem:$0x10200] =	vst v63  }
0x44: {  	_ = 	snop  }
0x45: {  	[tilespmem:s10], [sflag:$0x1] =	stream.indirect.gather [hbm4b:s5+s6], $0x80, s9, s6, $0xb8;
	[tilespmem:$0x10200] =	vst v63  }
0x46: {  	_ = 	snop  }
0x47: {  	[tilespmem:s12], [sflag:$0x1] =	stream.indirect.gather [hbm4b:s5+s6], $0x80, s11, s6, $0xb8;
	[tilespmem:$0x10200] =	vst v63  }
0x48: {  	_ =	swait.ge [sflag:s13], $0x4000  }
0x49: {  	[sflag:s13] =	ssyncset.done $0x0  }
0x4a: {  	[sflag:s13] =	ssyncadd.s32 $0xFFFFC000  }
0x4b: {  	_ =	swait.ge [sflag:s13], $0x4000  }
0x4c: {  	[sflag:s13] =	ssyncset.done $0x0  }
0x4d: {  	[sflag:s13] =	ssyncadd.s32 $0xFFFFC000  }
0x4e: {  	_ =	swait.ge [sflag:s13], $0x4000  }
0x4f: {  	[sflag:s13] =	ssyncset.done $0x0  }
0x50: {  	[sflag:s13] =	ssyncadd.s32 $0xFFFFC000  }
0x51: {  	_ =	swait.ge [sflag:s13], $0x4000  }
0x52: {  	[sflag:s13] =	ssyncset.done $0x0  }
0x53: {  	[sflag:s13] =	ssyncadd.s32 $0xFFFFC000  }
0x54: {  	[hbm4b:s14+s2] =	stream.linear.scatter [tilespmem:s7], [sflag:$0x2], $0x10000, $0x38;
	[tilespmem:$0x10200] =	vst v63  }
0x55: {  	_ =	swait.ge [sflag:s3], $0x10000  }
0x56: {  	[sflag:s3] =	ssyncset.done $0x0  }
0x57: {  	[sflag:s3] =	ssyncadd.s32 $0xFFFF0000  }
0x58: {  	[tilespmem:s2], [sflag:$0x2] =	stream.linear.gather [hbm4b:s15+s2], $0x200, $0x38;
	[tilespmem:$0x10200] =	vst v63  }
0x59: {  	_ =	swait.ge [sflag:s3], $0x200  }
0x5a: {  	[sflag:s3] =	ssyncset.done $0x0  }
0x5b: {  	[sflag:s3] =	ssyncadd.s32 $0xFFFFFE00  }
0x5c: {  	[tilespmem:s7], [sflag:$0x1] =	stream.indirect.gather [hbm4b:s16+s6], $0x80, s2, s6, $0xb8;
	[tilespmem:$0x10200] =	vst v63  }
0x5d: {  	_ = 	snop  }
0x5e: {  	[tilespmem:s8], [sflag:$0x1] =	stream.indirect.gather [hbm4b:s16+s6], $0x80, s6, s6, $0xb8;
	[tilespmem:$0x10200] =	vst v63  }
0x5f: {  	_ = 	snop  }
0x60: {  	[tilespmem:s10], [sflag:$0x1] =	stream.indirect.gather [hbm4b:s16+s6], $0x80, s9, s6, $0xb8;
	[tilespmem:$0x10200] =	vst v63  }
0x61: {  	_ = 	snop  }
0x62: {  	[tilespmem:s12], [sflag:$0x1] =	stream.indirect.gather [hbm4b:s16+s6], $0x80, s11, s6, $0xb8;
	[tilespmem:$0x10200] =	vst v63  }
0x63: {  	_ =	swait.ge [sflag:s13], $0x4000  }
0x64: {  	[sflag:s13] =	ssyncset.done $0x0  }
0x65: {  	[sflag:s13] =	ssyncadd.s32 $0xFFFFC000  }
0x66: {  	_ =	swait.ge [sflag:s13], $0x4000  }
0x67: {  	[sflag:s13] =	ssyncset.done $0x0  }
0x68: {  	[sflag:s13] =	ssyncadd.s32 $0xFFFFC000  }
0x69: {  	_ =	swait.ge [sflag:s13], $0x4000  }
0x6a: {  	[sflag:s13] =	ssyncset.done $0x0  }
0x6b: {  	[sflag:s13] =	ssyncadd.s32 $0xFFFFC000  }
0x6c: {  	_ =	swait.ge [sflag:s13], $0x4000  }
.Ltmp1:
0x6d: {  	[sflag:s13] =	ssyncset.done $0x0;
	(pc) =	sbr.rel @p0 .LBB2_1-.Ltmp1, $4  }
0x6e: {  	[sflag:s13] =	ssyncadd.s32 $0xFFFFC000  }
0x6f: {  	[hbm4b:s17+s2] =	stream.linear.scatter [tilespmem:s7], [sflag:$0x2], $0x10000, $0x38;
	[tilespmem:$0x10200] =	vst v63  }
0x70: {  	_ =	swait.ge [sflag:s3], $0x10000  }
0x71: {  	[sflag:s3] =	ssyncset.done $0x0  }
.LBB2_2:
0x72: {  	[sflag:s3] =	ssyncadd.s32 $0xFFFF0000  }
0x73: {  	_ =	sfence.sel $0x180000  }
0x74: {  	[bflag:$0x0] =	sbarrier.arrive $0xFFFF  }
0x75: {  	p0 =	sne.s32 s1, $0x0;
	_ =	strace $0x90000047  }
0x76: {  	s0 =	sadd.s32 @!p0 $0x100000, s0;
	[bflag:$0x2] =	sbarrier.arrive $0xFFFF  }
0x77: {  	[sflag:s0] =	ssyncadd.tile.s32 @!p0 $0x1;
	_ =	shalt  }
.Lfunc_end2:
_tile_overlayer_lowered:
.L_overlay_start_2:
0x78: {  	(tag) =	ssettag $0x2  }
0x79: {  	s0 =	rddreg [dreg:$0x0];
	s2 =	stileid.u32  }
0x7a: {  	s1 =	rddreg [dreg:$0x1];
	p0 =	sne.s32 s2, $0x0  }
0x7b: {  	s3 =	rddreg [dreg:$0x2];
	[bflag:$0x3] =	sbarrier.arrive $0xFFFF;
	s2 =	simm.s32 @!p0 $0x1C02  }
0x7c: {  	[timem:s3], [sflag:s2] =	dma.local @!p0 [hbm:s0], s1  }
0x7d: {  	s0 =	simm.s32 @!p0 $0x2  }
0x7e: {  	_ =	swait.ge @!p0 [sflag:s0], s1  }
0x7f: {  	s1 =	ssub.s32 @!p0 $0x0, s1;
	[sflag:s0] =	ssyncset.done @!p0 $0x0  }
0x80: {  	[sflag:s0] =	ssyncadd.s32 @!p0 s1  }
0x81: {  	[bflag:$0x3] =	sbarrier.arrive $0xFFFF  }
0x82: {  	_ =	shalt  }

</sc_bundles>
